<compile_context>
chip_gen: v7x
topology: tpu7x:2x2x1
jax: 0.10.2.dev20260603
libtpu: 0.0.44.dev20260713+nightly
codegen_flags: <defaults>
</compile_context>

<pallas_src>
import functools

import jax
import jax.numpy as jnp
from jax import lax
from jax.experimental import pallas as pl
from jax.experimental.pallas import tpu as pltpu
from jax.experimental.pallas import tpu_sc as plsc

N = 10000
E = 320000
D = 128

NC = 2
NS = 16
NW = NC * NS
L = 16

NPAD = 10240
EPW = E // NW
K = 128
NCHUNK = 79
EPT = NCHUNK * K
ACCR = 10240
SROWS = ACCR // NS

RB = 1000
GRID = N // RB

_mesh = plsc.VectorSubcoreMesh(
    core_axis_name="c", subcore_axis_name="s", num_cores=NC, num_subcores=NS)
_sc_params = pltpu.CompilerParams(needs_layout_passes=False)


@functools.partial(
    pl.kernel,
    out_type=jax.ShapeDtypeStruct((NW, NPAD), jnp.float32),
    mesh=_mesh,
    scratch_types=[
        pltpu.VMEM((EPT,), jnp.int32),
        pltpu.VMEM((NPAD,), jnp.float32),
    ],
    compiler_params=_sc_params,
)
def _sc_deg(dst_hbm, out_hbm, dst_v, deg_v):
    wid = lax.axis_index("c") * NS + lax.axis_index("s")
    pltpu.sync_copy(dst_hbm.at[wid], dst_v)

    zeros = jnp.zeros((L,), jnp.float32)

    def _zero(i, carry):
        deg_v[pl.ds(i * L, L)] = zeros
        return carry

    lax.fori_loop(0, NPAD // L, _zero, 0)

    ones = jnp.ones((L,), jnp.float32)

    def _count(i, carry):
        idx = dst_v[pl.ds(i * L, L)]
        plsc.addupdate_scatter(deg_v, [idx], ones)
        return carry

    lax.fori_loop(0, EPT // L, _count, 0)
    pltpu.sync_copy(deg_v, out_hbm.at[wid])


def _tc_g_body(x_ref, w_ref, degp_ref, g_ref):
    deg = jnp.sum(degp_ref[...], axis=1) + 1.0
    dis = lax.rsqrt(deg)
    h = lax.dot_general(
        x_ref[...], w_ref[...], (((1,), (1,)), ((), ())),
        preferred_element_type=jnp.float32,
        precision=lax.Precision.HIGHEST)
    g_ref[...] = h * dis[:, None]


def _tc_g(x, W, degp):
    return pl.pallas_call(
        _tc_g_body,
        grid=(GRID,),
        in_specs=[
            pl.BlockSpec((RB, D), lambda i: (i, 0)),
            pl.BlockSpec((D, D), lambda i: (0, 0)),
            pl.BlockSpec((RB, NW), lambda i: (i, 0)),
        ],
        out_specs=pl.BlockSpec((RB, D), lambda i: (i, 0)),
        out_shape=jax.ShapeDtypeStruct((N, D), jnp.float32),
    )(x, W, degp)


@functools.partial(
    pl.kernel,
    out_type=jax.ShapeDtypeStruct((NC, ACCR, D), jnp.float32),
    mesh=_mesh,
    scratch_types=[
        pltpu.VMEM((NCHUNK, K), jnp.int32),
        pltpu.VMEM((NCHUNK, K), jnp.int32),
        pltpu.VMEM((K, D), jnp.float32),
        pltpu.SemaphoreType.DMA,
        pltpu.VMEM_SHARED((ACCR, D), jnp.float32),
    ],
    compiler_params=_sc_params,
)
def _sc_scatter(g_hbm, src_hbm, dst_hbm, out_hbm,
                src_v, dst_v, buf, sem, acc):
    cid = lax.axis_index("c")
    sid = lax.axis_index("s")
    wid = cid * NS + sid

    pltpu.sync_copy(src_hbm.at[wid], src_v)
    pltpu.sync_copy(dst_hbm.at[wid], dst_v)

    zeros = jnp.zeros((L,), jnp.float32)

    def _zrow(r, carry):
        for j in range(D // L):
            buf[r, pl.ds(j * L, L)] = zeros
        return carry

    lax.fori_loop(0, K, _zrow, 0)
    for z in range(SROWS // K):
        pltpu.sync_copy(buf, acc.at[pl.ds(sid * SROWS + z * K, K)])
    plsc.subcore_barrier()

    def _chunk(ci, carry):
        pltpu.async_copy(g_hbm.at[src_v.at[ci]], buf, sem).wait()
        pltpu.sync_copy(buf, acc.at[dst_v.at[ci]], add=True)
        return carry

    lax.fori_loop(0, NCHUNK, _chunk, 0)

    plsc.subcore_barrier()
    pltpu.sync_copy(acc.at[pl.ds(sid * SROWS, SROWS)],
                    out_hbm.at[cid, pl.ds(sid * SROWS, SROWS)])


def _ln(h, gamma, beta):
    mu = jnp.mean(h, axis=-1, keepdims=True)
    var = jnp.mean((h - mu) ** 2, axis=-1, keepdims=True)
    return (h - mu) * lax.rsqrt(var + 1e-5) * gamma + beta


def _tc_epi_body(x_ref, g_ref, degp_ref, accp_ref, b_ref,
                 g1_ref, b1_ref, g2_ref, b2_ref, out_ref):
    deg = jnp.sum(degp_ref[...], axis=1) + 1.0
    dis = lax.rsqrt(deg)
    acc = accp_ref[0] + accp_ref[1]
    t = (acc + g_ref[...]) * dis[:, None] + b_ref[...]
    t = jnp.maximum(t, 0.0)
    t = _ln(t, g1_ref[...], b1_ref[...])
    t = x_ref[...] + t
    out_ref[...] = _ln(t, g2_ref[...], b2_ref[...])


def _tc_epilogue(x, g, degp, accp, b, g1, b1, g2, b2):
    vec = pl.BlockSpec((1, D), lambda i: (0, 0))
    return pl.pallas_call(
        _tc_epi_body,
        grid=(GRID,),
        in_specs=[
            pl.BlockSpec((RB, D), lambda i: (i, 0)),
            pl.BlockSpec((RB, D), lambda i: (i, 0)),
            pl.BlockSpec((RB, NW), lambda i: (i, 0)),
            pl.BlockSpec((NC, RB, D), lambda i: (0, i, 0)),
            vec, vec, vec, vec, vec,
        ],
        out_specs=pl.BlockSpec((RB, D), lambda i: (i, 0)),
        out_shape=jax.ShapeDtypeStruct((N, D), jnp.float32),
    )(x, g, degp, accp, b.reshape(1, D), g1.reshape(1, D),
      b1.reshape(1, D), g2.reshape(1, D), b2.reshape(1, D))


def kernel(x, edge_index, W, b, gamma1, beta1, gamma2, beta2):
    src = edge_index[0].reshape(NW, EPW)
    dst = edge_index[1].reshape(NW, EPW)
    pad = EPT - EPW
    src_p = jnp.pad(src, ((0, 0), (0, pad))).reshape(NW, NCHUNK, K)
    dst_p = jnp.pad(dst, ((0, 0), (0, pad)), constant_values=N)

    degp = _sc_deg(dst_p)
    degp_t = degp.T[:N]
    g = _tc_g(x, W, degp_t)
    accp = _sc_scatter(g, src_p, dst_p.reshape(NW, NCHUNK, K))
    return _tc_epilogue(x, g, degp_t, accp, b, gamma1, beta1, gamma2, beta2)

# --- scband reference (transcript-rebuilt; emitter-appended) ---
"""Pipeline reference for scband-gcnlayer-32736240730563 (READ-ONLY COPY).

The authoritative reference and input builder live on the scoring server;
editing this copy changes nothing except your own understanding.
"""

import jax, jax.numpy as jnp
import numpy as np

N = 10000
E = 320000
D = 128


def setup_inputs(seed: int = 0) -> dict:
    key = jax.random.key(seed)
    ks = jax.random.split(key, 8)
    x = jax.random.normal(ks[0], (N, D), dtype=jnp.float32)
    edge_index = jax.random.randint(ks[1], (2, E), 0, N, dtype=jnp.int32)
    W = jax.random.normal(ks[2], (D, D), dtype=jnp.float32) * (1.0 / np.sqrt(D))
    b = jnp.zeros((D,), dtype=jnp.float32)
    gamma1 = jnp.ones((D,), dtype=jnp.float32)
    beta1 = jnp.zeros((D,), dtype=jnp.float32)
    gamma2 = jnp.ones((D,), dtype=jnp.float32)
    beta2 = jnp.zeros((D,), dtype=jnp.float32)
    return {"x": x, "edge_index": edge_index, "W": W, "b": b,
            "gamma1": gamma1, "beta1": beta1, "gamma2": gamma2, "beta2": beta2}


def _layer_norm(h, gamma, beta, eps=1e-5):
    mu = jnp.mean(h, axis=-1, keepdims=True)
    var = jnp.mean((h - mu) ** 2, axis=-1, keepdims=True)
    return (h - mu) / jnp.sqrt(var + eps) * gamma + beta


def _gcn_conv(x, edge_index, W, b):
    # PyG GCNConv: add self-loops, symmetric normalization, linear (no bias), aggregate, + bias
    n = x.shape[0]
    loop = jnp.arange(n, dtype=edge_index.dtype)
    src = jnp.concatenate([edge_index[0], loop])
    dst = jnp.concatenate([edge_index[1], loop])
    ew = jnp.ones(src.shape[0], dtype=x.dtype)
    deg = jnp.zeros((n,), dtype=x.dtype).at[dst].add(ew)
    deg_inv_sqrt = jnp.where(deg > 0, deg ** -0.5, 0.0)
    norm = deg_inv_sqrt[src] * ew * deg_inv_sqrt[dst]
    h = x @ W.T
    msg = h[src] * norm[:, None]
    agg = jax.ops.segment_sum(msg, dst, num_segments=n)
    return agg + b


def reference(x, edge_index, W, b, gamma1, beta1, gamma2, beta2):
    x_gcn = _gcn_conv(x, edge_index, W, b)
    x_gcn = jax.nn.relu(x_gcn)
    x_gcn = _layer_norm(x_gcn, gamma1, beta1)
    # dropout in eval mode -> identity
    x_gcn = x + x_gcn
    x_gcn = _layer_norm(x_gcn, gamma2, beta2)
    return x_gcn

if __name__ == "__main__":
    import jax
    _d = setup_inputs()
    print(jax.jit(kernel)(*tuple(_d.values())))

</pallas_src>

<mosaic_0001>
#map = affine_map<(d0, d1) -> (0, 0)>
#map1 = affine_map<(d0, d1) -> (0, 0, 0)>
module attributes {stable_mosaic.version = 14 : i64} {
  func.func @_sc_scatter(%arg0: i32, %arg1: i32, %arg2: memref<10000x128xf32, #tpu.memory_space<hbm>>, %arg3: memref<32x79x128xi32, #tpu.memory_space<hbm>>, %arg4: memref<32x79x128xi32, #tpu.memory_space<hbm>>, %arg5: memref<2x10240x128xf32, #tpu.memory_space<hbm>>, %arg6: memref<79x128xi32, #tpu.memory_space<vmem>>, %arg7: memref<79x128xi32, #tpu.memory_space<vmem>>, %arg8: memref<128x128xf32, #tpu.memory_space<vmem>>, %arg9: memref<!tpu.dma_semaphore, #tpu.memory_space<semaphore_mem>>, %arg10: memref<10240x128xf32, #tpu.memory_space<vmem_shared>>) attributes {dimension_semantics = [#tpu.dimension_semantics<core_parallel>, #tpu.dimension_semantics<subcore_parallel>], iteration_bounds = array<i64: 2, 16>, scalar_prefetch = 0 : i64, scratch_operands = 5 : i64, tpu.core_type = #tpu.core_type<sc_vector_subcore>, window_params = [{transform_indices = #map}, {transform_indices = #map1}, {transform_indices = #map1}, {transform_indices = #map1}]} {
    %mul3A = arith.constant 16 : i32
    %mul3A_0 = arith.muli %arg0, %mul3A : i32
    %add3A = arith.addi %mul3A_0, %arg1 : i32
    "tpu.region"() ({
      %run_scoped3A = tpu.sem_alloc : memref<!tpu.dma_semaphore, #tpu.memory_space<semaphore_mem>>
      %dma_start3A = arith.constant 0 : i32
      %dma_start3A_38 = arith.constant 0 : i32
      %dma_start3A_39 = tpu.memref_slice %arg3[%add3A, %dma_start3A, %dma_start3A_38] : memref<32x79x128xi32, #tpu.memory_space<hbm>> -> memref<1x79x128xi32, #tpu.memory_space<hbm>>
      %dma_start3A_40 = tpu.memref_squeeze %dma_start3A_39 : memref<1x79x128xi32, #tpu.memory_space<hbm>> -> memref<79x128xi32, #tpu.memory_space<hbm>>
      %dma_start3A_41 = arith.constant 0 : i32
      %dma_start3A_42 = arith.constant 0 : i32
      %dma_start3A_43 = tpu.memref_slice %arg3[%add3A, %dma_start3A_41, %dma_start3A_42] : memref<32x79x128xi32, #tpu.memory_space<hbm>> -> memref<1x79x128xi32, #tpu.memory_space<hbm>>
      %dma_start3A_44 = tpu.memref_squeeze %dma_start3A_43 : memref<1x79x128xi32, #tpu.memory_space<hbm>> -> memref<79x128xi32, #tpu.memory_space<hbm>>
      tpu.enqueue_dma source(%dma_start3A_44 : memref<79x128xi32, #tpu.memory_space<hbm>>) target(%arg6 : memref<79x128xi32, #tpu.memory_space<vmem>>) target_semaphore(%run_scoped3A : memref<!tpu.dma_semaphore, #tpu.memory_space<semaphore_mem>>)
      %dma_wait3A = arith.constant 0 : i32
      %dma_wait3A_45 = arith.constant 0 : i32
      %dma_wait3A_46 = tpu.memref_slice %arg3[%add3A, %dma_wait3A, %dma_wait3A_45] : memref<32x79x128xi32, #tpu.memory_space<hbm>> -> memref<1x79x128xi32, #tpu.memory_space<hbm>>
      %dma_wait3A_47 = tpu.memref_squeeze %dma_wait3A_46 : memref<1x79x128xi32, #tpu.memory_space<hbm>> -> memref<79x128xi32, #tpu.memory_space<hbm>>
      %dma_wait3A_48 = arith.constant 0 : i32
      %dma_wait3A_49 = arith.constant 0 : i32
      %dma_wait3A_50 = tpu.memref_slice %arg3[%add3A, %dma_wait3A_48, %dma_wait3A_49] : memref<32x79x128xi32, #tpu.memory_space<hbm>> -> memref<1x79x128xi32, #tpu.memory_space<hbm>>
      %dma_wait3A_51 = tpu.memref_squeeze %dma_wait3A_50 : memref<1x79x128xi32, #tpu.memory_space<hbm>> -> memref<79x128xi32, #tpu.memory_space<hbm>>
      tpu.wait_dma2 semaphore(%run_scoped3A : memref<!tpu.dma_semaphore, #tpu.memory_space<semaphore_mem>>) src(%dma_wait3A_51 : memref<79x128xi32, #tpu.memory_space<hbm>>) dst(%arg6 : memref<79x128xi32, #tpu.memory_space<vmem>>)
      tpu.yield
    }) : () -> ()
    "tpu.region"() ({
      %run_scoped3A = tpu.sem_alloc : memref<!tpu.dma_semaphore, #tpu.memory_space<semaphore_mem>>
      %dma_start3A = arith.constant 0 : i32
      %dma_start3A_38 = arith.constant 0 : i32
      %dma_start3A_39 = tpu.memref_slice %arg4[%add3A, %dma_start3A, %dma_start3A_38] : memref<32x79x128xi32, #tpu.memory_space<hbm>> -> memref<1x79x128xi32, #tpu.memory_space<hbm>>
      %dma_start3A_40 = tpu.memref_squeeze %dma_start3A_39 : memref<1x79x128xi32, #tpu.memory_space<hbm>> -> memref<79x128xi32, #tpu.memory_space<hbm>>
      %dma_start3A_41 = arith.constant 0 : i32
      %dma_start3A_42 = arith.constant 0 : i32
      %dma_start3A_43 = tpu.memref_slice %arg4[%add3A, %dma_start3A_41, %dma_start3A_42] : memref<32x79x128xi32, #tpu.memory_space<hbm>> -> memref<1x79x128xi32, #tpu.memory_space<hbm>>
      %dma_start3A_44 = tpu.memref_squeeze %dma_start3A_43 : memref<1x79x128xi32, #tpu.memory_space<hbm>> -> memref<79x128xi32, #tpu.memory_space<hbm>>
      tpu.enqueue_dma source(%dma_start3A_44 : memref<79x128xi32, #tpu.memory_space<hbm>>) target(%arg7 : memref<79x128xi32, #tpu.memory_space<vmem>>) target_semaphore(%run_scoped3A : memref<!tpu.dma_semaphore, #tpu.memory_space<semaphore_mem>>)
      %dma_wait3A = arith.constant 0 : i32
      %dma_wait3A_45 = arith.constant 0 : i32
      %dma_wait3A_46 = tpu.memref_slice %arg4[%add3A, %dma_wait3A, %dma_wait3A_45] : memref<32x79x128xi32, #tpu.memory_space<hbm>> -> memref<1x79x128xi32, #tpu.memory_space<hbm>>
      %dma_wait3A_47 = tpu.memref_squeeze %dma_wait3A_46 : memref<1x79x128xi32, #tpu.memory_space<hbm>> -> memref<79x128xi32, #tpu.memory_space<hbm>>
      %dma_wait3A_48 = arith.constant 0 : i32
      %dma_wait3A_49 = arith.constant 0 : i32
      %dma_wait3A_50 = tpu.memref_slice %arg4[%add3A, %dma_wait3A_48, %dma_wait3A_49] : memref<32x79x128xi32, #tpu.memory_space<hbm>> -> memref<1x79x128xi32, #tpu.memory_space<hbm>>
      %dma_wait3A_51 = tpu.memref_squeeze %dma_wait3A_50 : memref<1x79x128xi32, #tpu.memory_space<hbm>> -> memref<79x128xi32, #tpu.memory_space<hbm>>
      tpu.wait_dma2 semaphore(%run_scoped3A : memref<!tpu.dma_semaphore, #tpu.memory_space<semaphore_mem>>) src(%dma_wait3A_51 : memref<79x128xi32, #tpu.memory_space<hbm>>) dst(%arg7 : memref<79x128xi32, #tpu.memory_space<vmem>>)
      tpu.yield
    }) : () -> ()
    %broadcast_in_dim3A = arith.constant 0.000000e+00 : f32
    %broadcast_in_dim3A_1 = vector.broadcast %broadcast_in_dim3A : f32 to vector<16xf32>
    %scan3A = arith.constant 0 : i32
    %scan3A_2 = arith.constant 0 : i32
    %scan3A_3 = arith.constant 128 : i32
    %scan3A_4 = arith.addi %scan3A_2, %scan3A_3 : i32
    %scan3A_5 = arith.constant 1 : i32
    scf.for %scan3A_38 = %scan3A_2 to %scan3A_4 step %scan3A_5  : i32 {
      %swap3A = arith.index_cast %scan3A_38 : i32 to index
      %swap3A_39 = arith.constant 0 : index
      %swap3A_40 = tpu.vector_load %arg8[%swap3A, %swap3A_39] {strides = array<i32>} : memref<128x128xf32, #tpu.memory_space<vmem>>, vector<16xf32>,
      tpu.vector_store %arg8[%swap3A, %swap3A_39], %broadcast_in_dim3A_1 {strides = array<i32>} : memref<128x128xf32, #tpu.memory_space<vmem>>, vector<16xf32>,
      %swap3A_41 = arith.index_cast %scan3A_38 : i32 to index
      %swap3A_42 = arith.constant 16 : index
      %swap3A_43 = tpu.vector_load %arg8[%swap3A_41, %swap3A_42] {strides = array<i32>} : memref<128x128xf32, #tpu.memory_space<vmem>>, vector<16xf32>,
      tpu.vector_store %arg8[%swap3A_41, %swap3A_42], %broadcast_in_dim3A_1 {strides = array<i32>} : memref<128x128xf32, #tpu.memory_space<vmem>>, vector<16xf32>,
      %swap3A_44 = arith.index_cast %scan3A_38 : i32 to index
      %swap3A_45 = arith.constant 32 : index
      %swap3A_46 = tpu.vector_load %arg8[%swap3A_44, %swap3A_45] {strides = array<i32>} : memref<128x128xf32, #tpu.memory_space<vmem>>, vector<16xf32>,
      tpu.vector_store %arg8[%swap3A_44, %swap3A_45], %broadcast_in_dim3A_1 {strides = array<i32>} : memref<128x128xf32, #tpu.memory_space<vmem>>, vector<16xf32>,
      %swap3A_47 = arith.index_cast %scan3A_38 : i32 to index
      %swap3A_48 = arith.constant 48 : index
      %swap3A_49 = tpu.vector_load %arg8[%swap3A_47, %swap3A_48] {strides = array<i32>} : memref<128x128xf32, #tpu.memory_space<vmem>>, vector<16xf32>,
      tpu.vector_store %arg8[%swap3A_47, %swap3A_48], %broadcast_in_dim3A_1 {strides = array<i32>} : memref<128x128xf32, #tpu.memory_space<vmem>>, vector<16xf32>,
      %swap3A_50 = arith.index_cast %scan3A_38 : i32 to index
      %swap3A_51 = arith.constant 64 : index
      %swap3A_52 = tpu.vector_load %arg8[%swap3A_50, %swap3A_51] {strides = array<i32>} : memref<128x128xf32, #tpu.memory_space<vmem>>, vector<16xf32>,
      tpu.vector_store %arg8[%swap3A_50, %swap3A_51], %broadcast_in_dim3A_1 {strides = array<i32>} : memref<128x128xf32, #tpu.memory_space<vmem>>, vector<16xf32>,
      %swap3A_53 = arith.index_cast %scan3A_38 : i32 to index
      %swap3A_54 = arith.constant 80 : index
      %swap3A_55 = tpu.vector_load %arg8[%swap3A_53, %swap3A_54] {strides = array<i32>} : memref<128x128xf32, #tpu.memory_space<vmem>>, vector<16xf32>,
      tpu.vector_store %arg8[%swap3A_53, %swap3A_54], %broadcast_in_dim3A_1 {strides = array<i32>} : memref<128x128xf32, #tpu.memory_space<vmem>>, vector<16xf32>,
      %swap3A_56 = arith.index_cast %scan3A_38 : i32 to index
      %swap3A_57 = arith.constant 96 : index
      %swap3A_58 = tpu.vector_load %arg8[%swap3A_56, %swap3A_57] {strides = array<i32>} : memref<128x128xf32, #tpu.memory_space<vmem>>, vector<16xf32>,
      tpu.vector_store %arg8[%swap3A_56, %swap3A_57], %broadcast_in_dim3A_1 {strides = array<i32>} : memref<128x128xf32, #tpu.memory_space<vmem>>, vector<16xf32>,
      %swap3A_59 = arith.index_cast %scan3A_38 : i32 to index
      %swap3A_60 = arith.constant 112 : index
      %swap3A_61 = tpu.vector_load %arg8[%swap3A_59, %swap3A_60] {strides = array<i32>} : memref<128x128xf32, #tpu.memory_space<vmem>>, vector<16xf32>,
      tpu.vector_store %arg8[%swap3A_59, %swap3A_60], %broadcast_in_dim3A_1 {strides = array<i32>} : memref<128x128xf32, #tpu.memory_space<vmem>>, vector<16xf32>,
    }
    %scan3A_6 = arith.constant 128 : i32
    %mul3A_7 = arith.constant 640 : i32
    %mul3A_8 = arith.muli %arg1, %mul3A_7 : i32
    %add3A_9 = arith.constant 0 : i32
    %add3A_10 = arith.addi %mul3A_8, %add3A_9 : i32
    "tpu.region"() ({
      %run_scoped3A = tpu.sem_alloc : memref<!tpu.dma_semaphore, #tpu.memory_space<semaphore_mem>>
      %dma_start3A = arith.constant 0 : i32
      %dma_start3A_38 = tpu.memref_slice %arg10[%add3A_10, %dma_start3A] : memref<10240x128xf32, #tpu.memory_space<vmem_shared>> -> memref<128x128xf32, #tpu.memory_space<vmem_shared>>
      %dma_start3A_39 = arith.constant 0 : i32
      %dma_start3A_40 = tpu.memref_slice %arg10[%add3A_10, %dma_start3A_39] : memref<10240x128xf32, #tpu.memory_space<vmem_shared>> -> memref<128x128xf32, #tpu.memory_space<vmem_shared>>
      tpu.enqueue_dma source(%arg8 : memref<128x128xf32, #tpu.memory_space<vmem>>) target(%dma_start3A_40 : memref<128x128xf32, #tpu.memory_space<vmem_shared>>) target_semaphore(%run_scoped3A : memref<!tpu.dma_semaphore, #tpu.memory_space<semaphore_mem>>)
      %dma_wait3A = arith.constant 0 : i32
      %dma_wait3A_41 = tpu.memref_slice %arg10[%add3A_10, %dma_wait3A] : memref<10240x128xf32, #tpu.memory_space<vmem_shared>> -> memref<128x128xf32, #tpu.memory_space<vmem_shared>>
      %dma_wait3A_42 = arith.constant 0 : i32
      %dma_wait3A_43 = tpu.memref_slice %arg10[%add3A_10, %dma_wait3A_42] : memref<10240x128xf32, #tpu.memory_space<vmem_shared>> -> memref<128x128xf32, #tpu.memory_space<vmem_shared>>
      tpu.wait_dma2 semaphore(%run_scoped3A : memref<!tpu.dma_semaphore, #tpu.memory_space<semaphore_mem>>) src(%arg8 : memref<128x128xf32, #tpu.memory_space<vmem>>) dst(%dma_wait3A_43 : memref<128x128xf32, #tpu.memory_space<vmem_shared>>)
      tpu.yield
    }) : () -> ()
    %mul3A_11 = arith.constant 640 : i32
    %mul3A_12 = arith.muli %arg1, %mul3A_11 : i32
    %add3A_13 = arith.constant 128 : i32
    %add3A_14 = arith.addi %mul3A_12, %add3A_13 : i32
    "tpu.region"() ({
      %run_scoped3A = tpu.sem_alloc : memref<!tpu.dma_semaphore, #tpu.memory_space<semaphore_mem>>
      %dma_start3A = arith.constant 0 : i32
      %dma_start3A_38 = tpu.memref_slice %arg10[%add3A_14, %dma_start3A] : memref<10240x128xf32, #tpu.memory_space<vmem_shared>> -> memref<128x128xf32, #tpu.memory_space<vmem_shared>>
      %dma_start3A_39 = arith.constant 0 : i32
      %dma_start3A_40 = tpu.memref_slice %arg10[%add3A_14, %dma_start3A_39] : memref<10240x128xf32, #tpu.memory_space<vmem_shared>> -> memref<128x128xf32, #tpu.memory_space<vmem_shared>>
      tpu.enqueue_dma source(%arg8 : memref<128x128xf32, #tpu.memory_space<vmem>>) target(%dma_start3A_40 : memref<128x128xf32, #tpu.memory_space<vmem_shared>>) target_semaphore(%run_scoped3A : memref<!tpu.dma_semaphore, #tpu.memory_space<semaphore_mem>>)
      %dma_wait3A = arith.constant 0 : i32
      %dma_wait3A_41 = tpu.memref_slice %arg10[%add3A_14, %dma_wait3A] : memref<10240x128xf32, #tpu.memory_space<vmem_shared>> -> memref<128x128xf32, #tpu.memory_space<vmem_shared>>
      %dma_wait3A_42 = arith.constant 0 : i32
      %dma_wait3A_43 = tpu.memref_slice %arg10[%add3A_14, %dma_wait3A_42] : memref<10240x128xf32, #tpu.memory_space<vmem_shared>> -> memref<128x128xf32, #tpu.memory_space<vmem_shared>>
      tpu.wait_dma2 semaphore(%run_scoped3A : memref<!tpu.dma_semaphore, #tpu.memory_space<semaphore_mem>>) src(%arg8 : memref<128x128xf32, #tpu.memory_space<vmem>>) dst(%dma_wait3A_43 : memref<128x128xf32, #tpu.memory_space<vmem_shared>>)
      tpu.yield
    }) : () -> ()
    %mul3A_15 = arith.constant 640 : i32
    %mul3A_16 = arith.muli %arg1, %mul3A_15 : i32
    %add3A_17 = arith.constant 256 : i32
    %add3A_18 = arith.addi %mul3A_16, %add3A_17 : i32
    "tpu.region"() ({
      %run_scoped3A = tpu.sem_alloc : memref<!tpu.dma_semaphore, #tpu.memory_space<semaphore_mem>>
      %dma_start3A = arith.constant 0 : i32
      %dma_start3A_38 = tpu.memref_slice %arg10[%add3A_18, %dma_start3A] : memref<10240x128xf32, #tpu.memory_space<vmem_shared>> -> memref<128x128xf32, #tpu.memory_space<vmem_shared>>
      %dma_start3A_39 = arith.constant 0 : i32
      %dma_start3A_40 = tpu.memref_slice %arg10[%add3A_18, %dma_start3A_39] : memref<10240x128xf32, #tpu.memory_space<vmem_shared>> -> memref<128x128xf32, #tpu.memory_space<vmem_shared>>
      tpu.enqueue_dma source(%arg8 : memref<128x128xf32, #tpu.memory_space<vmem>>) target(%dma_start3A_40 : memref<128x128xf32, #tpu.memory_space<vmem_shared>>) target_semaphore(%run_scoped3A : memref<!tpu.dma_semaphore, #tpu.memory_space<semaphore_mem>>)
      %dma_wait3A = arith.constant 0 : i32
      %dma_wait3A_41 = tpu.memref_slice %arg10[%add3A_18, %dma_wait3A] : memref<10240x128xf32, #tpu.memory_space<vmem_shared>> -> memref<128x128xf32, #tpu.memory_space<vmem_shared>>
      %dma_wait3A_42 = arith.constant 0 : i32
      %dma_wait3A_43 = tpu.memref_slice %arg10[%add3A_18, %dma_wait3A_42] : memref<10240x128xf32, #tpu.memory_space<vmem_shared>> -> memref<128x128xf32, #tpu.memory_space<vmem_shared>>
      tpu.wait_dma2 semaphore(%run_scoped3A : memref<!tpu.dma_semaphore, #tpu.memory_space<semaphore_mem>>) src(%arg8 : memref<128x128xf32, #tpu.memory_space<vmem>>) dst(%dma_wait3A_43 : memref<128x128xf32, #tpu.memory_space<vmem_shared>>)
      tpu.yield
    }) : () -> ()
    %mul3A_19 = arith.constant 640 : i32
    %mul3A_20 = arith.muli %arg1, %mul3A_19 : i32
    %add3A_21 = arith.constant 384 : i32
    %add3A_22 = arith.addi %mul3A_20, %add3A_21 : i32
    "tpu.region"() ({
      %run_scoped3A = tpu.sem_alloc : memref<!tpu.dma_semaphore, #tpu.memory_space<semaphore_mem>>
      %dma_start3A = arith.constant 0 : i32
      %dma_start3A_38 = tpu.memref_slice %arg10[%add3A_22, %dma_start3A] : memref<10240x128xf32, #tpu.memory_space<vmem_shared>> -> memref<128x128xf32, #tpu.memory_space<vmem_shared>>
      %dma_start3A_39 = arith.constant 0 : i32
      %dma_start3A_40 = tpu.memref_slice %arg10[%add3A_22, %dma_start3A_39] : memref<10240x128xf32, #tpu.memory_space<vmem_shared>> -> memref<128x128xf32, #tpu.memory_space<vmem_shared>>
      tpu.enqueue_dma source(%arg8 : memref<128x128xf32, #tpu.memory_space<vmem>>) target(%dma_start3A_40 : memref<128x128xf32, #tpu.memory_space<vmem_shared>>) target_semaphore(%run_scoped3A : memref<!tpu.dma_semaphore, #tpu.memory_space<semaphore_mem>>)
      %dma_wait3A = arith.constant 0 : i32
      %dma_wait3A_41 = tpu.memref_slice %arg10[%add3A_22, %dma_wait3A] : memref<10240x128xf32, #tpu.memory_space<vmem_shared>> -> memref<128x128xf32, #tpu.memory_space<vmem_shared>>
      %dma_wait3A_42 = arith.constant 0 : i32
      %dma_wait3A_43 = tpu.memref_slice %arg10[%add3A_22, %dma_wait3A_42] : memref<10240x128xf32, #tpu.memory_space<vmem_shared>> -> memref<128x128xf32, #tpu.memory_space<vmem_shared>>
      tpu.wait_dma2 semaphore(%run_scoped3A : memref<!tpu.dma_semaphore, #tpu.memory_space<semaphore_mem>>) src(%arg8 : memref<128x128xf32, #tpu.memory_space<vmem>>) dst(%dma_wait3A_43 : memref<128x128xf32, #tpu.memory_space<vmem_shared>>)
      tpu.yield
    }) : () -> ()
    %mul3A_23 = arith.constant 640 : i32
    %mul3A_24 = arith.muli %arg1, %mul3A_23 : i32
    %add3A_25 = arith.constant 512 : i32
    %add3A_26 = arith.addi %mul3A_24, %add3A_25 : i32
    "tpu.region"() ({
      %run_scoped3A = tpu.sem_alloc : memref<!tpu.dma_semaphore, #tpu.memory_space<semaphore_mem>>
      %dma_start3A = arith.constant 0 : i32
      %dma_start3A_38 = tpu.memref_slice %arg10[%add3A_26, %dma_start3A] : memref<10240x128xf32, #tpu.memory_space<vmem_shared>> -> memref<128x128xf32, #tpu.memory_space<vmem_shared>>
      %dma_start3A_39 = arith.constant 0 : i32
      %dma_start3A_40 = tpu.memref_slice %arg10[%add3A_26, %dma_start3A_39] : memref<10240x128xf32, #tpu.memory_space<vmem_shared>> -> memref<128x128xf32, #tpu.memory_space<vmem_shared>>
      tpu.enqueue_dma source(%arg8 : memref<128x128xf32, #tpu.memory_space<vmem>>) target(%dma_start3A_40 : memref<128x128xf32, #tpu.memory_space<vmem_shared>>) target_semaphore(%run_scoped3A : memref<!tpu.dma_semaphore, #tpu.memory_space<semaphore_mem>>)
      %dma_wait3A = arith.constant 0 : i32
      %dma_wait3A_41 = tpu.memref_slice %arg10[%add3A_26, %dma_wait3A] : memref<10240x128xf32, #tpu.memory_space<vmem_shared>> -> memref<128x128xf32, #tpu.memory_space<vmem_shared>>
      %dma_wait3A_42 = arith.constant 0 : i32
      %dma_wait3A_43 = tpu.memref_slice %arg10[%add3A_26, %dma_wait3A_42] : memref<10240x128xf32, #tpu.memory_space<vmem_shared>> -> memref<128x128xf32, #tpu.memory_space<vmem_shared>>
      tpu.wait_dma2 semaphore(%run_scoped3A : memref<!tpu.dma_semaphore, #tpu.memory_space<semaphore_mem>>) src(%arg8 : memref<128x128xf32, #tpu.memory_space<vmem>>) dst(%dma_wait3A_43 : memref<128x128xf32, #tpu.memory_space<vmem_shared>>)
      tpu.yield
    }) : () -> ()
    %barrier3A = arith.constant 0 : index
    tpu.barrier barrier_id(%barrier3A)
    %scan3A_27 = arith.constant 0 : i32
    %scan3A_28 = arith.constant 0 : i32
    %scan3A_29 = arith.constant 79 : i32
    %scan3A_30 = arith.addi %scan3A_28, %scan3A_29 : i32
    %scan3A_31 = arith.constant 1 : i32
    scf.for %scan3A_38 = %scan3A_28 to %scan3A_30 step %scan3A_31  : i32 {
      %dma_start3A = arith.constant 0 : i32
      %dma_start3A_39 = tpu.memref_slice %arg6[%scan3A_38, %dma_start3A] : memref<79x128xi32, #tpu.memory_space<vmem>> -> memref<1x128xi32, #tpu.memory_space<vmem>>
      %dma_start3A_40 = tpu.memref_squeeze %dma_start3A_39 : memref<1x128xi32, #tpu.memory_space<vmem>> -> memref<128xi32, #tpu.memory_space<vmem>>
      %dma_start3A_41 = arith.constant 0 : i32
      %dma_start3A_42 = arith.constant 0 : i32
      %dma_start3A_43 = tpu.memref_slice %arg2[%dma_start3A_41, %dma_start3A_42] : memref<10000x128xf32, #tpu.memory_space<hbm>> -> memref<10000x128xf32, #tpu.memory_space<hbm>>
      tpu.enqueue_indirect_dma source(%dma_start3A_43 : memref<10000x128xf32, #tpu.memory_space<hbm>>) target(%arg8 : memref<128x128xf32, #tpu.memory_space<vmem>>) offsets(%dma_start3A_40 : memref<128xi32, #tpu.memory_space<vmem>>) semaphore(%arg9 : memref<!tpu.dma_semaphore, #tpu.memory_space<semaphore_mem>>)
      %dma_wait3A = arith.constant 0 : i32
      %dma_wait3A_44 = tpu.memref_slice %arg6[%scan3A_38, %dma_wait3A] : memref<79x128xi32, #tpu.memory_space<vmem>> -> memref<1x128xi32, #tpu.memory_space<vmem>>
      %dma_wait3A_45 = tpu.memref_squeeze %dma_wait3A_44 : memref<1x128xi32, #tpu.memory_space<vmem>> -> memref<128xi32, #tpu.memory_space<vmem>>
      %dma_wait3A_46 = arith.constant 0 : i32
      %dma_wait3A_47 = arith.constant 0 : i32
      %dma_wait3A_48 = tpu.memref_slice %arg2[%dma_wait3A_46, %dma_wait3A_47] : memref<10000x128xf32, #tpu.memory_space<hbm>> -> memref<10000x128xf32, #tpu.memory_space<hbm>>
      tpu.wait_indirect_dma semaphore(%arg9 : memref<!tpu.dma_semaphore, #tpu.memory_space<semaphore_mem>>) src(%dma_wait3A_48 : memref<10000x128xf32, #tpu.memory_space<hbm>>) dst(%arg8 : memref<128x128xf32, #tpu.memory_space<vmem>>)
      "tpu.region"() ({
        %run_scoped3A = tpu.sem_alloc : memref<!tpu.dma_semaphore, #tpu.memory_space<semaphore_mem>>
        %dma_start3A_49 = arith.constant 0 : i32
        %dma_start3A_50 = tpu.memref_slice %arg7[%scan3A_38, %dma_start3A_49] : memref<79x128xi32, #tpu.memory_space<vmem>> -> memref<1x128xi32, #tpu.memory_space<vmem>>
        %dma_start3A_51 = tpu.memref_squeeze %dma_start3A_50 : memref<1x128xi32, #tpu.memory_space<vmem>> -> memref<128xi32, #tpu.memory_space<vmem>>
        %dma_start3A_52 = arith.constant 0 : i32
        %dma_start3A_53 = arith.constant 0 : i32
        %dma_start3A_54 = tpu.memref_slice %arg10[%dma_start3A_52, %dma_start3A_53] : memref<10240x128xf32, #tpu.memory_space<vmem_shared>> -> memref<10240x128xf32, #tpu.memory_space<vmem_shared>>
        tpu.enqueue_indirect_dma source(%arg8 : memref<128x128xf32, #tpu.memory_space<vmem>>) target(%dma_start3A_54 : memref<10240x128xf32, #tpu.memory_space<vmem_shared>>) offsets(%dma_start3A_51 : memref<128xi32, #tpu.memory_space<vmem>>) semaphore(%run_scoped3A : memref<!tpu.dma_semaphore, #tpu.memory_space<semaphore_mem>>) {add = true}
        %dma_wait3A_55 = arith.constant 0 : i32
        %dma_wait3A_56 = tpu.memref_slice %arg7[%scan3A_38, %dma_wait3A_55] : memref<79x128xi32, #tpu.memory_space<vmem>> -> memref<1x128xi32, #tpu.memory_space<vmem>>
        %dma_wait3A_57 = tpu.memref_squeeze %dma_wait3A_56 : memref<1x128xi32, #tpu.memory_space<vmem>> -> memref<128xi32, #tpu.memory_space<vmem>>
        %dma_wait3A_58 = arith.constant 0 : i32
        %dma_wait3A_59 = arith.constant 0 : i32
        %dma_wait3A_60 = tpu.memref_slice %arg10[%dma_wait3A_58, %dma_wait3A_59] : memref<10240x128xf32, #tpu.memory_space<vmem_shared>> -> memref<10240x128xf32, #tpu.memory_space<vmem_shared>>
        tpu.wait_indirect_dma semaphore(%run_scoped3A : memref<!tpu.dma_semaphore, #tpu.memory_space<semaphore_mem>>) src(%arg8 : memref<128x128xf32, #tpu.memory_space<vmem>>) dst(%dma_wait3A_60 : memref<10240x128xf32, #tpu.memory_space<vmem_shared>>)
        tpu.yield
      }) : () -> ()
    }
    %scan3A_32 = arith.constant 79 : i32
    %barrier3A_33 = arith.constant 0 : index
    tpu.barrier barrier_id(%barrier3A_33)
    %mul3A_34 = arith.constant 640 : i32
    %mul3A_35 = arith.muli %arg1, %mul3A_34 : i32
    %mul3A_36 = arith.constant 640 : i32
    %mul3A_37 = arith.muli %arg1, %mul3A_36 : i32
    "tpu.region"() ({
      %run_scoped3A = tpu.sem_alloc : memref<!tpu.dma_semaphore, #tpu.memory_space<semaphore_mem>>
      %dma_start3A = arith.constant 0 : i32
      %dma_start3A_38 = tpu.memref_slice %arg5[%arg0, %mul3A_37, %dma_start3A] : memref<2x10240x128xf32, #tpu.memory_space<hbm>> -> memref<1x640x128xf32, #tpu.memory_space<hbm>>
      %dma_start3A_39 = tpu.memref_squeeze %dma_start3A_38 : memref<1x640x128xf32, #tpu.memory_space<hbm>> -> memref<640x128xf32, #tpu.memory_space<hbm>>
      %dma_start3A_40 = arith.constant 0 : i32
      %dma_start3A_41 = tpu.memref_slice %arg10[%mul3A_35, %dma_start3A_40] : memref<10240x128xf32, #tpu.memory_space<vmem_shared>> -> memref<640x128xf32, #tpu.memory_space<vmem_shared>>
      tpu.enqueue_dma source(%dma_start3A_41 : memref<640x128xf32, #tpu.memory_space<vmem_shared>>) target(%dma_start3A_39 : memref<640x128xf32, #tpu.memory_space<hbm>>) target_semaphore(%run_scoped3A : memref<!tpu.dma_semaphore, #tpu.memory_space<semaphore_mem>>)
      %dma_wait3A = arith.constant 0 : i32
      %dma_wait3A_42 = tpu.memref_slice %arg5[%arg0, %mul3A_37, %dma_wait3A] : memref<2x10240x128xf32, #tpu.memory_space<hbm>> -> memref<1x640x128xf32, #tpu.memory_space<hbm>>
      %dma_wait3A_43 = tpu.memref_squeeze %dma_wait3A_42 : memref<1x640x128xf32, #tpu.memory_space<hbm>> -> memref<640x128xf32, #tpu.memory_space<hbm>>
      %dma_wait3A_44 = arith.constant 0 : i32
      %dma_wait3A_45 = tpu.memref_slice %arg10[%mul3A_35, %dma_wait3A_44] : memref<10240x128xf32, #tpu.memory_space<vmem_shared>> -> memref<640x128xf32, #tpu.memory_space<vmem_shared>>
      tpu.wait_dma2 semaphore(%run_scoped3A : memref<!tpu.dma_semaphore, #tpu.memory_space<semaphore_mem>>) src(%dma_wait3A_45 : memref<640x128xf32, #tpu.memory_space<vmem_shared>>) dst(%dma_wait3A_43 : memref<640x128xf32, #tpu.memory_space<hbm>>)
      tpu.yield
    }) : () -> ()
    return
  }
}

#map = affine_map<(d0, d1) -> (0, 0)>
module attributes {stable_mosaic.version = 14 : i64} {
  func.func @_sc_deg(%arg0: i32, %arg1: i32, %arg2: memref<32x10112xi32, #tpu.memory_space<hbm>>, %arg3: memref<32x10240xf32, #tpu.memory_space<hbm>>, %arg4: memref<10112xi32, #tpu.memory_space<vmem>>, %arg5: memref<10240xf32, #tpu.memory_space<vmem>>) attributes {dimension_semantics = [#tpu.dimension_semantics<core_parallel>, #tpu.dimension_semantics<subcore_parallel>], iteration_bounds = array<i64: 2, 16>, scalar_prefetch = 0 : i64, scratch_operands = 2 : i64, tpu.core_type = #tpu.core_type<sc_vector_subcore>, window_params = [{transform_indices = #map}, {transform_indices = #map}]} {
    %mul3A = arith.constant 16 : i32
    %mul3A_0 = arith.muli %arg0, %mul3A : i32
    %add3A = arith.addi %mul3A_0, %arg1 : i32
    "tpu.region"() ({
      %run_scoped3A = tpu.sem_alloc : memref<!tpu.dma_semaphore, #tpu.memory_space<semaphore_mem>>
      %dma_start3A = arith.constant 0 : i32
      %dma_start3A_15 = tpu.memref_slice %arg2[%add3A, %dma_start3A] : memref<32x10112xi32, #tpu.memory_space<hbm>> -> memref<1x10112xi32, #tpu.memory_space<hbm>>
      %dma_start3A_16 = tpu.memref_squeeze %dma_start3A_15 : memref<1x10112xi32, #tpu.memory_space<hbm>> -> memref<10112xi32, #tpu.memory_space<hbm>>
      %dma_start3A_17 = arith.constant 0 : i32
      %dma_start3A_18 = tpu.memref_slice %arg2[%add3A, %dma_start3A_17] : memref<32x10112xi32, #tpu.memory_space<hbm>> -> memref<1x10112xi32, #tpu.memory_space<hbm>>
      %dma_start3A_19 = tpu.memref_squeeze %dma_start3A_18 : memref<1x10112xi32, #tpu.memory_space<hbm>> -> memref<10112xi32, #tpu.memory_space<hbm>>
      tpu.enqueue_dma source(%dma_start3A_19 : memref<10112xi32, #tpu.memory_space<hbm>>) target(%arg4 : memref<10112xi32, #tpu.memory_space<vmem>>) target_semaphore(%run_scoped3A : memref<!tpu.dma_semaphore, #tpu.memory_space<semaphore_mem>>)
      %dma_wait3A = arith.constant 0 : i32
      %dma_wait3A_20 = tpu.memref_slice %arg2[%add3A, %dma_wait3A] : memref<32x10112xi32, #tpu.memory_space<hbm>> -> memref<1x10112xi32, #tpu.memory_space<hbm>>
      %dma_wait3A_21 = tpu.memref_squeeze %dma_wait3A_20 : memref<1x10112xi32, #tpu.memory_space<hbm>> -> memref<10112xi32, #tpu.memory_space<hbm>>
      %dma_wait3A_22 = arith.constant 0 : i32
      %dma_wait3A_23 = tpu.memref_slice %arg2[%add3A, %dma_wait3A_22] : memref<32x10112xi32, #tpu.memory_space<hbm>> -> memref<1x10112xi32, #tpu.memory_space<hbm>>
      %dma_wait3A_24 = tpu.memref_squeeze %dma_wait3A_23 : memref<1x10112xi32, #tpu.memory_space<hbm>> -> memref<10112xi32, #tpu.memory_space<hbm>>
      tpu.wait_dma2 semaphore(%run_scoped3A : memref<!tpu.dma_semaphore, #tpu.memory_space<semaphore_mem>>) src(%dma_wait3A_24 : memref<10112xi32, #tpu.memory_space<hbm>>) dst(%arg4 : memref<10112xi32, #tpu.memory_space<vmem>>)
      tpu.yield
    }) : () -> ()
    %broadcast_in_dim3A = arith.constant 0.000000e+00 : f32
    %broadcast_in_dim3A_1 = vector.broadcast %broadcast_in_dim3A : f32 to vector<16xf32>
    %scan3A = arith.constant 0 : i32
    %scan3A_2 = arith.constant 0 : i32
    %scan3A_3 = arith.constant 640 : i32
    %scan3A_4 = arith.addi %scan3A_2, %scan3A_3 : i32
    %scan3A_5 = arith.constant 1 : i32
    scf.for %scan3A_15 = %scan3A_2 to %scan3A_4 step %scan3A_5  : i32 {
      %mul3A_16 = arith.constant 16 : i32
      %mul3A_17 = arith.muli %scan3A_15, %mul3A_16 : i32
      %swap3A = arith.index_cast %mul3A_17 : i32 to index
      %swap3A_18 = tpu.vector_load %arg5[%swap3A] {strides = array<i32>} : memref<10240xf32, #tpu.memory_space<vmem>>, vector<16xf32>,
      tpu.vector_store %arg5[%swap3A], %broadcast_in_dim3A_1 {strides = array<i32>} : memref<10240xf32, #tpu.memory_space<vmem>>, vector<16xf32>,
    }
    %scan3A_6 = arith.constant 640 : i32
    %broadcast_in_dim3A_7 = arith.constant 1.000000e+00 : f32
    %broadcast_in_dim3A_8 = vector.broadcast %broadcast_in_dim3A_7 : f32 to vector<16xf32>
    %scan3A_9 = arith.constant 0 : i32
    %scan3A_10 = arith.constant 0 : i32
    %scan3A_11 = arith.constant 632 : i32
    %scan3A_12 = arith.addi %scan3A_10, %scan3A_11 : i32
    %scan3A_13 = arith.constant 1 : i32
    scf.for %scan3A_15 = %scan3A_10 to %scan3A_12 step %scan3A_13  : i32 {
      %mul3A_16 = arith.constant 16 : i32
      %mul3A_17 = arith.muli %scan3A_15, %mul3A_16 : i32
      %get3A = arith.index_cast %mul3A_17 : i32 to index
      %get3A_18 = tpu.vector_load %arg4[%get3A] {strides = array<i32>} : memref<10112xi32, #tpu.memory_space<vmem>>, vector<16xi32>,
      tpu.vector_store_idx %arg5[%get3A_18], %broadcast_in_dim3A_8 {add = true} : memref<10240xf32, #tpu.memory_space<vmem>>[vector<16xi32>], vector<16xf32>,
    }
    %scan3A_14 = arith.constant 632 : i32
    "tpu.region"() ({
      %run_scoped3A = tpu.sem_alloc : memref<!tpu.dma_semaphore, #tpu.memory_space<semaphore_mem>>
      %dma_start3A = arith.constant 0 : i32
      %dma_start3A_15 = tpu.memref_slice %arg3[%add3A, %dma_start3A] : memref<32x10240xf32, #tpu.memory_space<hbm>> -> memref<1x10240xf32, #tpu.memory_space<hbm>>
      %dma_start3A_16 = tpu.memref_squeeze %dma_start3A_15 : memref<1x10240xf32, #tpu.memory_space<hbm>> -> memref<10240xf32, #tpu.memory_space<hbm>>
      %dma_start3A_17 = arith.constant 0 : i32
      %dma_start3A_18 = tpu.memref_slice %arg3[%add3A, %dma_start3A_17] : memref<32x10240xf32, #tpu.memory_space<hbm>> -> memref<1x10240xf32, #tpu.memory_space<hbm>>
      %dma_start3A_19 = tpu.memref_squeeze %dma_start3A_18 : memref<1x10240xf32, #tpu.memory_space<hbm>> -> memref<10240xf32, #tpu.memory_space<hbm>>
      tpu.enqueue_dma source(%arg5 : memref<10240xf32, #tpu.memory_space<vmem>>) target(%dma_start3A_19 : memref<10240xf32, #tpu.memory_space<hbm>>) target_semaphore(%run_scoped3A : memref<!tpu.dma_semaphore, #tpu.memory_space<semaphore_mem>>)
      %dma_wait3A = arith.constant 0 : i32
      %dma_wait3A_20 = tpu.memref_slice %arg3[%add3A, %dma_wait3A] : memref<32x10240xf32, #tpu.memory_space<hbm>> -> memref<1x10240xf32, #tpu.memory_space<hbm>>
      %dma_wait3A_21 = tpu.memref_squeeze %dma_wait3A_20 : memref<1x10240xf32, #tpu.memory_space<hbm>> -> memref<10240xf32, #tpu.memory_space<hbm>>
      %dma_wait3A_22 = arith.constant 0 : i32
      %dma_wait3A_23 = tpu.memref_slice %arg3[%add3A, %dma_wait3A_22] : memref<32x10240xf32, #tpu.memory_space<hbm>> -> memref<1x10240xf32, #tpu.memory_space<hbm>>
      %dma_wait3A_24 = tpu.memref_squeeze %dma_wait3A_23 : memref<1x10240xf32, #tpu.memory_space<hbm>> -> memref<10240xf32, #tpu.memory_space<hbm>>
      tpu.wait_dma2 semaphore(%run_scoped3A : memref<!tpu.dma_semaphore, #tpu.memory_space<semaphore_mem>>) src(%arg5 : memref<10240xf32, #tpu.memory_space<vmem>>) dst(%dma_wait3A_24 : memref<10240xf32, #tpu.memory_space<hbm>>)
      tpu.yield
    }) : () -> ()
    return
  }
}

module attributes {stable_mosaic.version = 14 : i64} {
  func.func @_tc_g_body(%arg0: i32, %arg1: memref<1000x128xf32, #tpu.memory_space<vmem>>, %arg2: memref<128x128xf32, #tpu.memory_space<vmem>>, %arg3: memref<1000x32xf32, #tpu.memory_space<vmem>>, %arg4: memref<1000x128xf32, #tpu.memory_space<vmem>>) attributes {dimension_semantics = [#tpu.dimension_semantics<arbitrary>], iteration_bounds = array<i64: 10>, scalar_prefetch = 0 : i64, scratch_operands = 0 : i64, tpu.core_type = #tpu.core_type<tc>, window_params = [{transform_indices = @transform_0, window_bounds = array<i64: 1000, 128>}, {pipeline_mode = #tpu.pipeline_mode<synchronous>, transform_indices = @transform_1, window_bounds = array<i64: 128, 128>}, {transform_indices = @transform_2, window_bounds = array<i64: 1000, 32>}, {transform_indices = @transform_3, window_bounds = array<i64: 1000, 128>}]} {
    %get3A = arith.constant 0 : index
    %get3A_0 = arith.constant 0 : index
    %get3A_1 = vector.load %arg3[%get3A, %get3A_0] : memref<1000x32xf32, #tpu.memory_space<vmem>>, vector<1000x32xf32>
    %reduce_sum3A = arith.constant dense<0.000000e+00> : vector<1000xf32>
    %reduce_sum3A_2 = vector.multi_reduction <add>, %get3A_1, %reduce_sum3A [1] : vector<1000x32xf32> to vector<1000xf32>
    %add3A = arith.constant 1.000000e+00 : f32
    %add3A_3 = vector.broadcast %add3A : f32 to vector<1000xf32>
    %add3A_4 = arith.addf %reduce_sum3A_2, %add3A_3 : vector<1000xf32>
    %rsqrt3A = math.rsqrt %add3A_4 : vector<1000xf32>
    %get3A_5 = arith.constant 0 : index
    %get3A_6 = arith.constant 0 : index
    %get3A_7 = vector.load %arg1[%get3A_5, %get3A_6] : memref<1000x128xf32, #tpu.memory_space<vmem>>, vector<1000x128xf32>
    %get3A_8 = arith.constant 0 : index
    %get3A_9 = arith.constant 0 : index
    %get3A_10 = vector.load %arg2[%get3A_8, %get3A_9] : memref<128x128xf32, #tpu.memory_space<vmem>>, vector<128x128xf32>
    %dot_general3A = arith.constant dense<0.000000e+00> : vector<1000x128xf32>
    %dot_general3A_11 = tpu.matmul %get3A_7, %get3A_10, %dot_general3A {dimension_numbers = #tpu.dot_dimension_numbers<[1], [1], [0], [0], [0, 0, 1, 0], [], []>, precision = #tpu.contract_precision<fp32>, transpose_lhs_hint = false} : vector<1000x128xf32>, vector<128x128xf32>, vector<1000x128xf32> -> vector<1000x128xf32>
    %broadcast_in_dim3A = vector.shape_cast %rsqrt3A : vector<1000xf32> to vector<1000x1xf32>
    %mul3A = vector.broadcast %broadcast_in_dim3A : vector<1000x1xf32> to vector<1000x128xf32>
    %mul3A_12 = arith.mulf %dot_general3A_11, %mul3A : vector<1000x128xf32>
    %swap3A = arith.constant 0 : index
    %swap3A_13 = arith.constant 0 : index
    %swap3A_14 = vector.load %arg4[%swap3A, %swap3A_13] : memref<1000x128xf32, #tpu.memory_space<vmem>>, vector<1000x128xf32>
    tpu.vector_store %arg4[%swap3A, %swap3A_13], %mul3A_12 {strides = array<i32>} : memref<1000x128xf32, #tpu.memory_space<vmem>>, vector<1000x128xf32>,
    return
  }
  func.func @transform_0(%arg0: i32) -> (i32, i32) {
    %c0_i32 = arith.constant 0 : i32
    %c0_i32_0 = arith.constant 0 : i32
    return %arg0, %c0_i32 : i32, i32
  }
  func.func @transform_1(%arg0: i32) -> (i32, i32) {
    %c0_i32 = arith.constant 0 : i32
    %c0_i32_0 = arith.constant 0 : i32
    %c0_i32_1 = arith.constant 0 : i32
    return %c0_i32, %c0_i32_0 : i32, i32
  }
  func.func @transform_2(%arg0: i32) -> (i32, i32) {
    %c0_i32 = arith.constant 0 : i32
    %c0_i32_0 = arith.constant 0 : i32
    return %arg0, %c0_i32 : i32, i32
  }
  func.func @transform_3(%arg0: i32) -> (i32, i32) {
    %c0_i32 = arith.constant 0 : i32
    %c0_i32_0 = arith.constant 0 : i32
    return %arg0, %c0_i32 : i32, i32
  }
}

module attributes {stable_mosaic.version = 14 : i64} {
  func.func @_tc_epi_body(%arg0: i32, %arg1: memref<1000x128xf32, #tpu.memory_space<vmem>>, %arg2: memref<1000x128xf32, #tpu.memory_space<vmem>>, %arg3: memref<1000x32xf32, #tpu.memory_space<vmem>>, %arg4: memref<2x1000x128xf32, #tpu.memory_space<vmem>>, %arg5: memref<1x128xf32, #tpu.memory_space<vmem>>, %arg6: memref<1x128xf32, #tpu.memory_space<vmem>>, %arg7: memref<1x128xf32, #tpu.memory_space<vmem>>, %arg8: memref<1x128xf32, #tpu.memory_space<vmem>>, %arg9: memref<1x128xf32, #tpu.memory_space<vmem>>, %arg10: memref<1000x128xf32, #tpu.memory_space<vmem>>) attributes {dimension_semantics = [#tpu.dimension_semantics<arbitrary>], iteration_bounds = array<i64: 10>, scalar_prefetch = 0 : i64, scratch_operands = 0 : i64, tpu.core_type = #tpu.core_type<tc>, window_params = [{transform_indices = @transform_0, window_bounds = array<i64: 1000, 128>}, {transform_indices = @transform_1, window_bounds = array<i64: 1000, 128>}, {transform_indices = @transform_2, window_bounds = array<i64: 1000, 32>}, {transform_indices = @transform_3, window_bounds = array<i64: 2, 1000, 128>}, {pipeline_mode = #tpu.pipeline_mode<synchronous>, transform_indices = @transform_4, window_bounds = array<i64: 1, 128>}, {pipeline_mode = #tpu.pipeline_mode<synchronous>, transform_indices = @transform_5, window_bounds = array<i64: 1, 128>}, {pipeline_mode = #tpu.pipeline_mode<synchronous>, transform_indices = @transform_6, window_bounds = array<i64: 1, 128>}, {pipeline_mode = #tpu.pipeline_mode<synchronous>, transform_indices = @transform_7, window_bounds = array<i64: 1, 128>}, {pipeline_mode = #tpu.pipeline_mode<synchronous>, transform_indices = @transform_8, window_bounds = array<i64: 1, 128>}, {transform_indices = @transform_9, window_bounds = array<i64: 1000, 128>}]} {
    %get3A = arith.constant 0 : index
    %get3A_0 = arith.constant 0 : index
    %get3A_1 = vector.load %arg3[%get3A, %get3A_0] : memref<1000x32xf32, #tpu.memory_space<vmem>>, vector<1000x32xf32>
    %reduce_sum3A = arith.constant dense<0.000000e+00> : vector<1000xf32>
    %reduce_sum3A_2 = vector.multi_reduction <add>, %get3A_1, %reduce_sum3A [1] : vector<1000x32xf32> to vector<1000xf32>
    %add3A = arith.constant 1.000000e+00 : f32
    %add3A_3 = vector.broadcast %add3A : f32 to vector<1000xf32>
    %add3A_4 = arith.addf %reduce_sum3A_2, %add3A_3 : vector<1000xf32>
    %rsqrt3A = math.rsqrt %add3A_4 : vector<1000xf32>
    %get3A_5 = arith.constant 0 : index
    %get3A_6 = arith.constant 0 : index
    %get3A_7 = arith.constant 0 : index
    %get3A_8 = vector.load %arg4[%get3A_5, %get3A_6, %get3A_7] : memref<2x1000x128xf32, #tpu.memory_space<vmem>>, vector<1x1000x128xf32>
    %get3A_9 = vector.shape_cast %get3A_8 : vector<1x1000x128xf32> to vector<1000x128xf32>
    %get3A_10 = arith.constant 1 : index
    %get3A_11 = arith.constant 0 : index
    %get3A_12 = arith.constant 0 : index
    %get3A_13 = vector.load %arg4[%get3A_10, %get3A_11, %get3A_12] : memref<2x1000x128xf32, #tpu.memory_space<vmem>>, vector<1x1000x128xf32>
    %get3A_14 = vector.shape_cast %get3A_13 : vector<1x1000x128xf32> to vector<1000x128xf32>
    %add3A_15 = arith.addf %get3A_9, %get3A_14 : vector<1000x128xf32>
    %get3A_16 = arith.constant 0 : index
    %get3A_17 = arith.constant 0 : index
    %get3A_18 = vector.load %arg2[%get3A_16, %get3A_17] : memref<1000x128xf32, #tpu.memory_space<vmem>>, vector<1000x128xf32>
    %add3A_19 = arith.addf %add3A_15, %get3A_18 : vector<1000x128xf32>
    %broadcast_in_dim3A = vector.shape_cast %rsqrt3A : vector<1000xf32> to vector<1000x1xf32>
    %mul3A = vector.broadcast %broadcast_in_dim3A : vector<1000x1xf32> to vector<1000x128xf32>
    %mul3A_20 = arith.mulf %add3A_19, %mul3A : vector<1000x128xf32>
    %get3A_21 = arith.constant 0 : index
    %get3A_22 = arith.constant 0 : index
    %get3A_23 = vector.load %arg5[%get3A_21, %get3A_22] : memref<1x128xf32, #tpu.memory_space<vmem>>, vector<1x128xf32>
    %add3A_24 = vector.broadcast %get3A_23 : vector<1x128xf32> to vector<1000x128xf32>
    %add3A_25 = arith.addf %mul3A_20, %add3A_24 : vector<1000x128xf32>
    %max3A = arith.constant 0.000000e+00 : f32
    %max3A_26 = vector.broadcast %max3A : f32 to vector<1000x128xf32>
    %max3A_27 = arith.maximumf %add3A_25, %max3A_26 : vector<1000x128xf32>
    %get3A_28 = arith.constant 0 : index
    %get3A_29 = arith.constant 0 : index
    %get3A_30 = vector.load %arg6[%get3A_28, %get3A_29] : memref<1x128xf32, #tpu.memory_space<vmem>>, vector<1x128xf32>
    %get3A_31 = arith.constant 0 : index
    %get3A_32 = arith.constant 0 : index
    %get3A_33 = vector.load %arg7[%get3A_31, %get3A_32] : memref<1x128xf32, #tpu.memory_space<vmem>>, vector<1x128xf32>
    %reduce_sum3A_34 = arith.constant dense<0.000000e+00> : vector<1000xf32>
    %reduce_sum3A_35 = vector.multi_reduction <add>, %max3A_27, %reduce_sum3A_34 [1] : vector<1000x128xf32> to vector<1000xf32>
    %broadcast_in_dim3A_36 = vector.shape_cast %reduce_sum3A_35 : vector<1000xf32> to vector<1000x1xf32>
    %div3A = arith.constant 1.280000e+02 : f32
    %div3A_37 = vector.broadcast %div3A : f32 to vector<1000x1xf32>
    %div3A_38 = arith.divf %broadcast_in_dim3A_36, %div3A_37 : vector<1000x1xf32>
    %sub3A = vector.broadcast %div3A_38 : vector<1000x1xf32> to vector<1000x128xf32>
    %sub3A_39 = arith.subf %max3A_27, %sub3A : vector<1000x128xf32>
    %integer_pow3A = arith.mulf %sub3A_39, %sub3A_39 : vector<1000x128xf32>
    %reduce_sum3A_40 = arith.constant dense<0.000000e+00> : vector<1000xf32>
    %reduce_sum3A_41 = vector.multi_reduction <add>, %integer_pow3A, %reduce_sum3A_40 [1] : vector<1000x128xf32> to vector<1000xf32>
    %broadcast_in_dim3A_42 = vector.shape_cast %reduce_sum3A_41 : vector<1000xf32> to vector<1000x1xf32>
    %div3A_43 = arith.constant 1.280000e+02 : f32
    %div3A_44 = vector.broadcast %div3A_43 : f32 to vector<1000x1xf32>
    %div3A_45 = arith.divf %broadcast_in_dim3A_42, %div3A_44 : vector<1000x1xf32>
    %sub3A_46 = vector.broadcast %div3A_38 : vector<1000x1xf32> to vector<1000x128xf32>
    %sub3A_47 = arith.subf %max3A_27, %sub3A_46 : vector<1000x128xf32>
    %add3A_48 = arith.constant 9.99999974E-6 : f32
    %add3A_49 = vector.broadcast %add3A_48 : f32 to vector<1000x1xf32>
    %add3A_50 = arith.addf %div3A_45, %add3A_49 : vector<1000x1xf32>
    %rsqrt3A_51 = math.rsqrt %add3A_50 : vector<1000x1xf32>
    %mul3A_52 = vector.broadcast %rsqrt3A_51 : vector<1000x1xf32> to vector<1000x128xf32>
    %mul3A_53 = arith.mulf %sub3A_47, %mul3A_52 : vector<1000x128xf32>
    %mul3A_54 = vector.broadcast %get3A_30 : vector<1x128xf32> to vector<1000x128xf32>
    %mul3A_55 = arith.mulf %mul3A_53, %mul3A_54 : vector<1000x128xf32>
    %add3A_56 = vector.broadcast %get3A_33 : vector<1x128xf32> to vector<1000x128xf32>
    %add3A_57 = arith.addf %mul3A_55, %add3A_56 : vector<1000x128xf32>
    %get3A_58 = arith.constant 0 : index
    %get3A_59 = arith.constant 0 : index
    %get3A_60 = vector.load %arg1[%get3A_58, %get3A_59] : memref<1000x128xf32, #tpu.memory_space<vmem>>, vector<1000x128xf32>
    %add3A_61 = arith.addf %get3A_60, %add3A_57 : vector<1000x128xf32>
    %get3A_62 = arith.constant 0 : index
    %get3A_63 = arith.constant 0 : index
    %get3A_64 = vector.load %arg8[%get3A_62, %get3A_63] : memref<1x128xf32, #tpu.memory_space<vmem>>, vector<1x128xf32>
    %get3A_65 = arith.constant 0 : index
    %get3A_66 = arith.constant 0 : index
    %get3A_67 = vector.load %arg9[%get3A_65, %get3A_66] : memref<1x128xf32, #tpu.memory_space<vmem>>, vector<1x128xf32>
    %reduce_sum3A_68 = arith.constant dense<0.000000e+00> : vector<1000xf32>
    %reduce_sum3A_69 = vector.multi_reduction <add>, %add3A_61, %reduce_sum3A_68 [1] : vector<1000x128xf32> to vector<1000xf32>
    %broadcast_in_dim3A_70 = vector.shape_cast %reduce_sum3A_69 : vector<1000xf32> to vector<1000x1xf32>
    %div3A_71 = arith.constant 1.280000e+02 : f32
    %div3A_72 = vector.broadcast %div3A_71 : f32 to vector<1000x1xf32>
    %div3A_73 = arith.divf %broadcast_in_dim3A_70, %div3A_72 : vector<1000x1xf32>
    %sub3A_74 = vector.broadcast %div3A_73 : vector<1000x1xf32> to vector<1000x128xf32>
    %sub3A_75 = arith.subf %add3A_61, %sub3A_74 : vector<1000x128xf32>
    %integer_pow3A_76 = arith.mulf %sub3A_75, %sub3A_75 : vector<1000x128xf32>
    %reduce_sum3A_77 = arith.constant dense<0.000000e+00> : vector<1000xf32>
    %reduce_sum3A_78 = vector.multi_reduction <add>, %integer_pow3A_76, %reduce_sum3A_77 [1] : vector<1000x128xf32> to vector<1000xf32>
    %broadcast_in_dim3A_79 = vector.shape_cast %reduce_sum3A_78 : vector<1000xf32> to vector<1000x1xf32>
    %div3A_80 = arith.constant 1.280000e+02 : f32
    %div3A_81 = vector.broadcast %div3A_80 : f32 to vector<1000x1xf32>
    %div3A_82 = arith.divf %broadcast_in_dim3A_79, %div3A_81 : vector<1000x1xf32>
    %sub3A_83 = vector.broadcast %div3A_73 : vector<1000x1xf32> to vector<1000x128xf32>
    %sub3A_84 = arith.subf %add3A_61, %sub3A_83 : vector<1000x128xf32>
    %add3A_85 = arith.constant 9.99999974E-6 : f32
    %add3A_86 = vector.broadcast %add3A_85 : f32 to vector<1000x1xf32>
    %add3A_87 = arith.addf %div3A_82, %add3A_86 : vector<1000x1xf32>
    %rsqrt3A_88 = math.rsqrt %add3A_87 : vector<1000x1xf32>
    %mul3A_89 = vector.broadcast %rsqrt3A_88 : vector<1000x1xf32> to vector<1000x128xf32>
    %mul3A_90 = arith.mulf %sub3A_84, %mul3A_89 : vector<1000x128xf32>
    %mul3A_91 = vector.broadcast %get3A_64 : vector<1x128xf32> to vector<1000x128xf32>
    %mul3A_92 = arith.mulf %mul3A_90, %mul3A_91 : vector<1000x128xf32>
    %add3A_93 = vector.broadcast %get3A_67 : vector<1x128xf32> to vector<1000x128xf32>
    %add3A_94 = arith.addf %mul3A_92, %add3A_93 : vector<1000x128xf32>
    %swap3A = arith.constant 0 : index
    %swap3A_95 = arith.constant 0 : index
    %swap3A_96 = vector.load %arg10[%swap3A, %swap3A_95] : memref<1000x128xf32, #tpu.memory_space<vmem>>, vector<1000x128xf32>
    tpu.vector_store %arg10[%swap3A, %swap3A_95], %add3A_94 {strides = array<i32>} : memref<1000x128xf32, #tpu.memory_space<vmem>>, vector<1000x128xf32>,
    return
  }
  func.func @transform_0(%arg0: i32) -> (i32, i32) {
    %c0_i32 = arith.constant 0 : i32
    %c0_i32_0 = arith.constant 0 : i32
    return %arg0, %c0_i32 : i32, i32
  }
  func.func @transform_1(%arg0: i32) -> (i32, i32) {
    %c0_i32 = arith.constant 0 : i32
    %c0_i32_0 = arith.constant 0 : i32
    return %arg0, %c0_i32 : i32, i32
  }
  func.func @transform_2(%arg0: i32) -> (i32, i32) {
    %c0_i32 = arith.constant 0 : i32
    %c0_i32_0 = arith.constant 0 : i32
    return %arg0, %c0_i32 : i32, i32
  }
  func.func @transform_3(%arg0: i32) -> (i32, i32, i32) {
    %c0_i32 = arith.constant 0 : i32
    %c0_i32_0 = arith.constant 0 : i32
    %c0_i32_1 = arith.constant 0 : i32
    return %c0_i32, %arg0, %c0_i32_0 : i32, i32, i32
  }
  func.func @transform_4(%arg0: i32) -> (i32, i32) {
    %c0_i32 = arith.constant 0 : i32
    %c0_i32_0 = arith.constant 0 : i32
    %c0_i32_1 = arith.constant 0 : i32
    return %c0_i32, %c0_i32_0 : i32, i32
  }
  func.func @transform_5(%arg0: i32) -> (i32, i32) {
    %c0_i32 = arith.constant 0 : i32
    %c0_i32_0 = arith.constant 0 : i32
    %c0_i32_1 = arith.constant 0 : i32
    return %c0_i32, %c0_i32_0 : i32, i32
  }
  func.func @transform_6(%arg0: i32) -> (i32, i32) {
    %c0_i32 = arith.constant 0 : i32
    %c0_i32_0 = arith.constant 0 : i32
    %c0_i32_1 = arith.constant 0 : i32
    return %c0_i32, %c0_i32_0 : i32, i32
  }
  func.func @transform_7(%arg0: i32) -> (i32, i32) {
    %c0_i32 = arith.constant 0 : i32
    %c0_i32_0 = arith.constant 0 : i32
    %c0_i32_1 = arith.constant 0 : i32
    return %c0_i32, %c0_i32_0 : i32, i32
  }
  func.func @transform_8(%arg0: i32) -> (i32, i32) {
    %c0_i32 = arith.constant 0 : i32
    %c0_i32_0 = arith.constant 0 : i32
    %c0_i32_1 = arith.constant 0 : i32
    return %c0_i32, %c0_i32_0 : i32, i32
  }
  func.func @transform_9(%arg0: i32) -> (i32, i32) {
    %c0_i32 = arith.constant 0 : i32
    %c0_i32_0 = arith.constant 0 : i32
    return %arg0, %c0_i32 : i32, i32
  }
}

</mosaic_0001>

<sc_bundles>
// kernel: kernel.6.cloned.1.call-start
scs
__scs_entry_jumppad:
0x0: {  	(pc) =	sbr.rel $0x88, $3  }
0x1: {  	(tag) =	ssettag $0x0;
	lr =	simm.s32 $0x1  }
0x2: {  	[smem:$0x3F99] =	sst lr;
	_ =	strace $0xD0000000  }
0x3: {  	_ = 	snop  }
0x4: {  	_ = 	snop  }
0x5: {  	_ = 	snop  }
0x6: {  	_ = 	snop  }
0x7: {  	_ = 	snop  }
__scs_overlays_trampoline_lowered:
0x8: {  	[smem:$0x3FA8] =	sst s0  }
0x9: {  	[smem:$0x3FA9] =	sst s1  }
0xa: {  	[smem:$0x3FAA] =	sst s2  }
0xb: {  	[smem:$0x3FAB] =	sst s3  }
0xc: {  	[smem:$0x3FAC] =	sst s4  }
0xd: {  	[smem:$0x3FAD] =	sst s5  }
0xe: {  	[smem:$0x3FAE] =	sst s6  }
0xf: {  	[smem:$0x3FAF] =	sst s7  }
0x10: {  	[smem:$0x3FB0] =	sst s8  }
0x11: {  	[smem:$0x3FB1] =	sst s9;
	s0 =	simm.s32 @!p0 $0x0  }
0x12: {  	s1 =	sld [smem:$0x3F97];
	s0 =	simm.s32 @p0 $0x1  }
0x13: {  	[smem:$0x3FB2] =	sst s0;
	s0 =	simm.s32 @!p1 $0x0  }
0x14: {  	s2 =	sld [smem:$0x3F96];
	s0 =	simm.s32 @p1 $0x1  }
0x15: {  	[smem:$0x3FB3] =	sst s0;
	s0 =	simm.s32 @!p2 $0x0  }
0x16: {  	s3 =	sld [smem:$0x3FDB];
	s0 =	simm.s32 @p2 $0x1  }
0x17: {  	s4 =	simm.s32 $0x1BF5;
	[smem:$0x3FB5] =	sst s0  }
0x18: {  	s0 =	sld [smem:$0x3F98];
	_ =	swait.ge [sflag:s4], $0x0  }
0x19: {  	s7 =	sld [smem:$0x3F99]  }
0x1a: {  	s8 =	sadd.s32 $0xFFFFE003, lr  }
0x1b: {  	s9 =	sadd.s32 $0xFFFFFEF7, lr;
	s5 =	simm.s32 $0xFFFFFFFF;
	p2 =	slt.u32 s8, $0xFFFFF086  }
0x1c: {  	p1 =	slt.u32 s9, $0xF7A;
	s5 =	simm.s32 @!p2 $0x0  }
0x1d: {  	s5 =	simm.s32 @p1 $0x1;
	p0 =	seq.s32 s7, s2  }
0x1e: {  	s7 =	smul.u32 @!p0 $0xF7A, s2;
	p2 =	seq.s32 @!p0 s5, $0x0  }
0x1f: {  	s9 =	smul.u32 $0xF7A, s1;
	s8 =	simm.s32 @!p0 $0x1BF5;
	p2 =	por !p2, p0  }
0x20: {  	[sflag:s8] =	ssyncset.s32 @!p0 $0xFFFFF086;
	s6 =	sadd.s32 @!p0 s3, s7;
	s7 =	simm.s32 @!p0 $0x108  }
0x21: {  	s3 =	sadd.s32 s3, s9;
	s6 =	sadd.s32 @!p0 $0x88, s6;
	s7 =	simm.s32 @p2 $0x1082  }
0x22: {  	[simem:s7], [sflag:s8] =	dma.local @!p0 [hbm:s6], $0xF7A  }
0x23: {  	s9 =	sor.u32 $0xD0000000, s2;
	s6 =	simm.s32 $0x108;
	_ =	swait.ge @!p0 [sflag:s8], $0x0  }
0x24: {  	s3 =	sadd.s32 $0x88, s3;
	s6 =	simm.s32 @!p1 $0x1082;
	[sflag:s4] =	ssyncset.s32 $0xFFFFF086  }
0x25: {  	[simem:s6], [sflag:s4] =	dma.local [hbm:s3], $0xF7A  }
0x26: {  	[smem:$0x3F99] =	sst s1;
	(tag) =	ssettag s2;
	_ =	strace s9  }
0x27: {  	s1 =	sld [smem:$0x3FA9]  }
0x28: {  	s2 =	sld [smem:$0x3FAA]  }
0x29: {  	s4 =	sld [smem:$0x3FAC]  }
0x2a: {  	p0 =	seq.s32 s5, $0x0;
	s5 =	sld [smem:$0x3FAD]  }
0x2b: {  	s6 =	sld [smem:$0x3FAE]  }
0x2c: {  	s7 =	sld [smem:$0x3FAF]  }
0x2d: {  	s3 =	simm.s32 $0x108;
	s8 =	sld [smem:$0x3FB0]  }
0x2e: {  	s3 =	simm.s32 @!p0 $0x1082;
	s9 =	sld [smem:$0x3FB1]  }
0x2f: {  	lr =	sadd.s32 s0, s3;
	s0 =	sld [smem:$0x3FA8]  }
0x30: {  	s3 =	sld [smem:$0x3FAB]  }
0x31: {  	[smem:$0x3FB4] =	sst s10  }
0x32: {  	s10 =	sld [smem:$0x3FB2];
	_ =	sdelay $0x3  }
0x33: {  	p0 =	seq.s32 s10, $0x1;
	s10 =	sld [smem:$0x3FB4];
	_ =	sdelay $0x3  }
0x34: {  	[smem:$0x3FB4] =	sst s10  }
0x35: {  	s10 =	sld [smem:$0x3FB3];
	_ =	sdelay $0x3  }
0x36: {  	p1 =	seq.s32 s10, $0x1;
	s10 =	sld [smem:$0x3FB4];
	_ =	sdelay $0x3  }
0x37: {  	[smem:$0x3FB4] =	sst s10  }
0x38: {  	s10 =	sld [smem:$0x3FB5]  }
0x39: {  	_ = 	snop;
	(pc) =	sbr.ind lr, $3  }
0x3a: {  	_ = 	snop  }
0x3b: {  	_ = 	snop  }
0x3c: {  	p2 =	seq.s32 s10, $0x1;
	s10 =	sld [smem:$0x3FB4]  }
0x3d: {  	_ =	shalt  }
0x3e: {  	_ =	shalt  }
0x3f: {  	_ =	shalt  }
0x40: {  	_ =	shalt  }
0x41: {  	_ =	shalt  }
0x42: {  	_ =	shalt  }
0x43: {  	_ =	shalt  }
0x44: {  	_ =	shalt  }
0x45: {  	_ =	shalt  }
0x46: {  	_ =	shalt  }
0x47: {  	_ =	shalt  }
0x48: {  	_ =	shalt  }
0x49: {  	_ =	shalt  }
0x4a: {  	_ =	shalt  }
0x4b: {  	_ =	shalt  }
0x4c: {  	_ =	shalt  }
0x4d: {  	_ =	shalt  }
0x4e: {  	_ =	shalt  }
0x4f: {  	_ =	shalt  }
0x50: {  	_ =	shalt  }
0x51: {  	_ =	shalt  }
0x52: {  	_ =	shalt  }
0x53: {  	_ =	shalt  }
0x54: {  	_ =	shalt  }
0x55: {  	_ =	shalt  }
0x56: {  	_ =	shalt  }
0x57: {  	_ =	shalt  }
0x58: {  	_ =	shalt  }
0x59: {  	_ =	shalt  }
0x5a: {  	_ =	shalt  }
0x5b: {  	_ =	shalt  }
0x5c: {  	_ =	shalt  }
0x5d: {  	_ =	shalt  }
0x5e: {  	_ =	shalt  }
0x5f: {  	_ =	shalt  }
0x60: {  	_ =	shalt  }
0x61: {  	_ =	shalt  }
0x62: {  	_ =	shalt  }
0x63: {  	_ =	shalt  }
0x64: {  	_ =	shalt  }
0x65: {  	_ =	shalt  }
0x66: {  	_ =	shalt  }
0x67: {  	_ =	shalt  }
0x68: {  	_ =	shalt  }
0x69: {  	_ =	shalt  }
0x6a: {  	_ =	shalt  }
0x6b: {  	_ =	shalt  }
0x6c: {  	_ =	shalt  }
0x6d: {  	_ =	shalt  }
0x6e: {  	_ =	shalt  }
0x6f: {  	_ =	shalt  }
0x70: {  	_ =	shalt  }
0x71: {  	_ =	shalt  }
0x72: {  	_ =	shalt  }
0x73: {  	_ =	shalt  }
0x74: {  	_ =	shalt  }
0x75: {  	_ =	shalt  }
0x76: {  	_ =	shalt  }
0x77: {  	_ =	shalt  }
0x78: {  	_ =	shalt  }
0x79: {  	_ =	shalt  }
0x7a: {  	_ =	shalt  }
0x7b: {  	_ =	shalt  }
0x7c: {  	_ =	shalt  }
0x7d: {  	_ =	shalt  }
0x7e: {  	_ =	shalt  }
0x7f: {  	_ =	shalt  }
0x80: {  	_ =	shalt  }
0x81: {  	_ =	shalt  }
0x82: {  	_ =	shalt  }
0x83: {  	_ =	shalt  }
0x84: {  	_ =	shalt  }
0x85: {  	_ =	shalt  }
0x86: {  	_ =	shalt  }
0x87: {  	_ =	shalt  }
.Lfunc_end0:
.L_simem_size_0:
called_computation_lowered:
.L_overlay_start_0:
0x88: {  	s2 =	sld [smem:$0x3FD9]  }
0x89: {  	s3 =	sld [smem:$0x3FFE];
	_ =	sdelay $0x1  }
0x8a: {  	s1 =	srdreg.scid  }
0x8b: {  	s0 =	sand.u32 $0x1, s1  }
0x8c: {  	s17 =	sshll.u32 s0, $0xA;
	s2 =	sadd.s32 s3, s2  }
0x8d: {  	s2 =	sadd.s32 s2, s17  }
0x8e: {  	[smem:$0x3FC0] =	sst s2  }
0x8f: {  	_ = 	snop  }
0x90: {  	s2 =	sld [smem:$0x3FD0];
	(tm) =	ssettm $0x1  }
0x91: {  	s18 =	sld [smem:$0x3FFB];
	_ =	sdelay $0x3  }
0x92: {  	_ =	strace s18  }
0x93: {  	s3 =	sld [smem:$0x3FFC];
	_ =	sdelay $0x3  }
0x94: {  	_ =	strace s3  }
0x95: {  	s3 =	sld [smem:$0x3FFD];
	_ =	sdelay $0x3  }
0x96: {  	_ =	strace s3  }
0x97: {  	_ =	strace $0x8FFFFFFF  }
0x98: {  	s19 =	sld [smem:$0x3FDB];
	_ =	sdelay $0x1  }
0x99: {  	s4 =	simm.s32 $_scs_section_size  }
0x9a: {  	s5 =	simm.s32 $_size__tile_overlayer_lowered;
	s6 =	simm.s32 $_tile_overlayer_lowered  }
0x9b: {  	s22 =	simm.s32 $0x1BFF;
	s21 =	sshll.u32 s6, $0x1;
	s3 =	sadd.s32 s4, s19  }
0x9c: {  	s7 =	simm.s32 $0x0;
	s20 =	sshll.u32 s5, $0x1;
	s5 =	sadd.s32 s21, s3  }
0x9d: {  	[timem:s7], [sflag:s22] =	dma.local [hbm:s5], s20  }
0x9e: {  	_ =	swait.ge [sflag:s22], s20  }
0x9f: {  	s4 =	ssub.s32 $0x0, s20;
	[sflag:s22] =	ssyncset.done $0x0  }
0xa0: {  	[sflag:s22] =	ssyncadd.s32 s4;
	_ =	sdelay $0x1  }
0xa1: {  	s23 =	simm.s32 $0x1B8B  }
0xa2: {  	_ =	swait.ge [sflag:s23], $0x1  }
0xa3: {  	[sflag:s23] =	ssyncset.done $0x0  }
0xa4: {  	s25 =	simm.s32 $0x1B8E;
	s24 =	sld [smem:$0x3FFE];
	[sflag:s23] =	ssyncadd.s32 $0xFFFFFFFF  }
0xa5: {  	s26 =	simm.s32 $execute0_lowered;
	[smem:$0x3FD2] =	sst s25  }
0xa6: {  	s5 =	sshll.u32 s26, $0x1;
	_ =	strace $0x80000046;
	[dreg:$0x1] =	wrdreg $0xFFFFFFFF  }
0xa7: {  	s28 =	simm.s32 $_size_execute0_lowered;
	s3 =	sadd.s32 s3, s5;
	[dreg:$0x0] =	wrdreg $0x0  }
0xa8: {  	s5 =	sshll.u32 s28, $0x1;
	[dreg:$0x2] =	wrdreg s3  }
0xa9: {  	[dreg:$0x3] =	wrdreg s5  }
0xaa: {  	[dreg:$0x4] =	wrdreg $0xC0  }
0xab: {  	_ =	task [dreg:s7], $0x5FFFF  }
0xac: {  	[dreg:$0x1] =	wrdreg $0xFFFFFFFF  }
0xad: {  	[dreg:$0x0] =	wrdreg $0x60  }
0xae: {  	[dreg:$0x2] =	wrdreg s24  }
0xaf: {  	[dreg:$0x3] =	wrdreg s2  }
0xb0: {  	[dreg:$0x4] =	wrdreg $0x9  }
0xb1: {  	_ =	task.clear_ibuf [dreg:s7], $0x5FFFF;
	_ =	strace $0x90000046  }
0xb2: {  	s29 =	simm.s32 $0x9;
	_ =	strace $0x80000048  }
0xb3: {  	_ =	swait.ge [sflag:s29], $0x1  }
0xb4: {  	[sflag:s29] =	ssyncadd.s32 $0xFFFFFFFF  }
0xb5: {  	_ =	strace $0x90000048  }
0xb6: {  	_ =	sfence  }
0xb7: {  	s30 =	sld [smem:$0x0];
	_ =	sdelay $0x2  }
0xb8: {  	s31 =	sshll.u32 s1, $0xD;
	s1 =	sshrl.u32 s1, $0x2  }
0xb9: {  	s3 =	sand.u32 $0x4000, s31;
	s1 =	sadd.s32 s1, s30  }
0xba: {  	s0 =	sor.u32 s3, s0;
	s1 =	sshll.u32 s1, $0x11  }
0xbb: {  	s0 =	sor.u32 s1, s0  }
0xbc: {  	s0 =	sadd.s32 $0x8F2B, s0  }
0xbd: {  	[sflag:s0] =	ssyncadd.remote.s32 $0x1  }
0xbe: {  	_ =	sfence.sel $0xFFFF  }
0xbf: {  	[dreg:$0x0] =	wrdreg $0xFFFFFFFF;
	(pc) =	sbr.abs _section_cstart, $3  }
0xc0: {  	[dreg:$0x1] =	wrdreg $0xFFFFFFFF  }
0xc1: {  	_ =	task.clear_ibuf [dreg:s7], $0x2FFFF;
	_ =	strace $0x9FFFFFFF  }
0xc2: {  	(tm) =	ssettm $0x7FFFFFFF  }
0xc3: {  	_ =	shalt  }
tec
execute0_lowered:
.L_overlay_start_1:
0x0: {  	(tag) =	ssettag $0x1  }
0x1: {  	s0 =	srdreg.scid  }
0x2: {  	s3 =	sand.u32 $0x1, s0  }
0x3: {  	s4 =	rddreg [dreg:$0x0];
	s0 =	stileid.u32;
	s1 =	sshll.u32 s3, $0x4  }
0x4: {  	s5 =	rddreg [dreg:$0x1];
	s9 =	simm.s32 $0x2780;
	s2 =	sor.u32 s0, s1  }
0x5: {  	s10 =	simm.s32 $0x0;
	s7 =	sshll.u32 s0, $0x7;
	s6 =	sshrl.u32 s2, $0x3  }
0x6: {  	s3 =	ssub.s32 $0x2, s3;
	s1 =	rddreg [dreg:$0x2];
	s8 =	smul.u32 $0x13C00, s6  }
0x7: {  	s7 =	sand.u32 $0x380, s7;
	s2 =	simm.s32 $0x0;
	s6 =	smul.u32 $0x14000, s6  }
0x8: {  	s31 =	sshrl.u32 s3, $0x1;
	[smem:$0x7FF] =	sst s2;
	s8 =	sor.u32 s7, s8  }
0x9: {  	_ =	strace $0x80000047;
	s6 =	sor.u32 s7, s6;
	s8 =	sshrl.u32 s8, $0x3  }
0xa: {  	s7 =	ssub.s32 s3, s31;
	s6 =	sshrl.u32 s6, $0x3;
	s4 =	sadd.s32 s8, s4  }
0xb: {  	s8 =	simm.s32 $0x1;
	s3 =	sadd.s32 $0x1A00, s4;
	s4 =	sadd.s32 s5, s6  }
0xc: {  	v0 =	vimm.f32 $0.0e+00;
	v1 =	vimm.f32 $1.000000000e+00;
	s5 =	smax.u32 s7, $0x1;
	s6 =	simm.s32 $0x80;
	s7 =	simm.s32 $0x400  }
.LBB2_1:
0xd: {  	[tilespmem:s2], [sflag:$0x1] =	stream.strided.gather [hbm4b:s3+s6], $0x2780, s7, s6, $0x38;
	[tilespmem:$0x4F80] =	vst v63  }
0xe: {  	_ =	swait.ge [sflag:s8], $0x2780  }
0xf: {  	[sflag:s8] =	ssyncset.done $0x0  }
0x10: {  	s11 =	simm.s32 $0x0;
	[sflag:s8] =	ssyncadd.s32 $0xFFFFD880  }
.LBB2_2:
0x11: {  	p0 =	sne.s32 s11, $0x9FC0  }
.Ltmp0:
0x12: {  	_ = 	snop;
	(pc) =	sbr.rel @p0 .LBB2_2-.Ltmp0, $3  }
0x13: {  	_ =	sdelay $0x1  }
0x14: {  	s12 =	sshra.s32 s11, $0x2  }
0x15: {  	s11 =	sadd.s32 $0x40, s11;
	[tilespmem:s12+$0x2780] =	vst v0  }
0x16: {  	s12 =	simm.s32 $0x0;
	s11 =	simm.s32 $0x40  }
.LBB2_4:
0x17: {  	p0 =	sne.s32 s11, $0x9DC0;
	v2 =	vld [tilespmem:s12+$0x0];
	_ =	sdelay $0x3  }
.Ltmp1:
0x18: {  	(pc) =	sbr.rel @p0 .LBB2_4-.Ltmp1, $2  }
0x19: {  	_ =	sdelay $0x2  }
0x1a: {  	s12 =	sshra.s32 s11, $0x2;
	s11 =	sadd.s32 $0x40, s11;
	[tilespmem:v2+s9+$0x0] =	vst.idx.add.f32.msk $0xffff, v1  }
0x1b: {  	v2 =	vld [tilespmem:s12+$0x0];
	_ =	sdelay $0x5  }
0x1c: {  	s10 =	sadd.s32 $0x1, s10  }
0x1d: {  	p0 =	sne.s32 s10, s5  }
.Ltmp2:
0x1e: {  	[tilespmem:v2+s9+$0x0] =	vst.idx.add.f32.msk $0xffff, v1;
	(pc) =	sbr.rel @p0 .LBB2_1-.Ltmp2, $4  }
0x1f: {  	[hbm4b:s4+s6] =	stream.strided.scatter [tilespmem:s9], [sflag:$0x1], $0x2800, s7, s6, $0x38;
	[tilespmem:$0x4F80] =	vst v63  }
0x20: {  	_ =	swait.ge [sflag:s8], $0x2800  }
0x21: {  	[sflag:s8] =	ssyncset.done $0x0  }
0x22: {  	[sflag:s8] =	ssyncadd.s32 $0xFFFFD800  }
0x23: {  	_ =	sfence.sel $0x180000  }
0x24: {  	[bflag:$0x0] =	sbarrier.arrive $0xFFFF  }
0x25: {  	p0 =	sne.s32 s0, $0x0;
	_ =	strace $0x90000047  }
0x26: {  	s0 =	sadd.s32 @!p0 $0x100000, s1;
	[bflag:$0x2] =	sbarrier.arrive $0xFFFF  }
0x27: {  	[sflag:s0] =	ssyncadd.tile.s32 @!p0 $0x1;
	_ =	shalt  }
.Lfunc_end2:
_tile_overlayer_lowered:
.L_overlay_start_2:
0x28: {  	(tag) =	ssettag $0x2  }
0x29: {  	s0 =	rddreg [dreg:$0x0];
	s2 =	stileid.u32  }
0x2a: {  	s1 =	rddreg [dreg:$0x1];
	p0 =	sne.s32 s2, $0x0  }
0x2b: {  	s3 =	rddreg [dreg:$0x2];
	[bflag:$0x3] =	sbarrier.arrive $0xFFFF;
	s2 =	simm.s32 @!p0 $0x1C01  }
0x2c: {  	[timem:s3], [sflag:s2] =	dma.local @!p0 [hbm:s0], s1  }
0x2d: {  	s0 =	simm.s32 @!p0 $0x1  }
0x2e: {  	_ =	swait.ge @!p0 [sflag:s0], s1  }
0x2f: {  	s1 =	ssub.s32 @!p0 $0x0, s1;
	[sflag:s0] =	ssyncset.done @!p0 $0x0  }
0x30: {  	[sflag:s0] =	ssyncadd.s32 @!p0 s1  }
0x31: {  	[bflag:$0x3] =	sbarrier.arrive $0xFFFF  }
0x32: {  	_ =	shalt  }

// kernel: kernel.9.cloned.1.call-start
scs
__scs_entry_jumppad:
0x0: {  	(pc) =	sbr.rel $0x88, $3  }
0x1: {  	(tag) =	ssettag $0x0;
	lr =	simm.s32 $0x1  }
0x2: {  	[smem:$0x3F99] =	sst lr;
	_ =	strace $0xD0000000  }
0x3: {  	_ = 	snop  }
0x4: {  	_ = 	snop  }
0x5: {  	_ = 	snop  }
0x6: {  	_ = 	snop  }
0x7: {  	_ = 	snop  }
__scs_overlays_trampoline_lowered:
0x8: {  	[smem:$0x3FA8] =	sst s0  }
0x9: {  	[smem:$0x3FA9] =	sst s1  }
0xa: {  	[smem:$0x3FAA] =	sst s2  }
0xb: {  	[smem:$0x3FAB] =	sst s3  }
0xc: {  	[smem:$0x3FAC] =	sst s4  }
0xd: {  	[smem:$0x3FAD] =	sst s5  }
0xe: {  	[smem:$0x3FAE] =	sst s6  }
0xf: {  	[smem:$0x3FAF] =	sst s7  }
0x10: {  	[smem:$0x3FB0] =	sst s8  }
0x11: {  	[smem:$0x3FB1] =	sst s9;
	s0 =	simm.s32 @!p0 $0x0  }
0x12: {  	s1 =	sld [smem:$0x3F97];
	s0 =	simm.s32 @p0 $0x1  }
0x13: {  	[smem:$0x3FB2] =	sst s0;
	s0 =	simm.s32 @!p1 $0x0  }
0x14: {  	s2 =	sld [smem:$0x3F96];
	s0 =	simm.s32 @p1 $0x1  }
0x15: {  	[smem:$0x3FB3] =	sst s0;
	s0 =	simm.s32 @!p2 $0x0  }
0x16: {  	s3 =	sld [smem:$0x3FDB];
	s0 =	simm.s32 @p2 $0x1  }
0x17: {  	s4 =	simm.s32 $0x1BF5;
	[smem:$0x3FB5] =	sst s0  }
0x18: {  	s0 =	sld [smem:$0x3F98];
	_ =	swait.ge [sflag:s4], $0x0  }
0x19: {  	s7 =	sld [smem:$0x3F99]  }
0x1a: {  	s8 =	sadd.s32 $0xFFFFE003, lr  }
0x1b: {  	s9 =	sadd.s32 $0xFFFFFEF7, lr;
	s5 =	simm.s32 $0xFFFFFFFF;
	p2 =	slt.u32 s8, $0xFFFFF086  }
0x1c: {  	p1 =	slt.u32 s9, $0xF7A;
	s5 =	simm.s32 @!p2 $0x0  }
0x1d: {  	s5 =	simm.s32 @p1 $0x1;
	p0 =	seq.s32 s7, s2  }
0x1e: {  	s7 =	smul.u32 @!p0 $0xF7A, s2;
	p2 =	seq.s32 @!p0 s5, $0x0  }
0x1f: {  	s9 =	smul.u32 $0xF7A, s1;
	s8 =	simm.s32 @!p0 $0x1BF5;
	p2 =	por !p2, p0  }
0x20: {  	[sflag:s8] =	ssyncset.s32 @!p0 $0xFFFFF086;
	s6 =	sadd.s32 @!p0 s3, s7;
	s7 =	simm.s32 @!p0 $0x108  }
0x21: {  	s3 =	sadd.s32 s3, s9;
	s6 =	sadd.s32 @!p0 $0x88, s6;
	s7 =	simm.s32 @p2 $0x1082  }
0x22: {  	[simem:s7], [sflag:s8] =	dma.local @!p0 [hbm:s6], $0xF7A  }
0x23: {  	s9 =	sor.u32 $0xD0000000, s2;
	s6 =	simm.s32 $0x108;
	_ =	swait.ge @!p0 [sflag:s8], $0x0  }
0x24: {  	s3 =	sadd.s32 $0x88, s3;
	s6 =	simm.s32 @!p1 $0x1082;
	[sflag:s4] =	ssyncset.s32 $0xFFFFF086  }
0x25: {  	[simem:s6], [sflag:s4] =	dma.local [hbm:s3], $0xF7A  }
0x26: {  	[smem:$0x3F99] =	sst s1;
	(tag) =	ssettag s2;
	_ =	strace s9  }
0x27: {  	s1 =	sld [smem:$0x3FA9]  }
0x28: {  	s2 =	sld [smem:$0x3FAA]  }
0x29: {  	s4 =	sld [smem:$0x3FAC]  }
0x2a: {  	p0 =	seq.s32 s5, $0x0;
	s5 =	sld [smem:$0x3FAD]  }
0x2b: {  	s6 =	sld [smem:$0x3FAE]  }
0x2c: {  	s7 =	sld [smem:$0x3FAF]  }
0x2d: {  	s3 =	simm.s32 $0x108;
	s8 =	sld [smem:$0x3FB0]  }
0x2e: {  	s3 =	simm.s32 @!p0 $0x1082;
	s9 =	sld [smem:$0x3FB1]  }
0x2f: {  	lr =	sadd.s32 s0, s3;
	s0 =	sld [smem:$0x3FA8]  }
0x30: {  	s3 =	sld [smem:$0x3FAB]  }
0x31: {  	[smem:$0x3FB4] =	sst s10  }
0x32: {  	s10 =	sld [smem:$0x3FB2];
	_ =	sdelay $0x3  }
0x33: {  	p0 =	seq.s32 s10, $0x1;
	s10 =	sld [smem:$0x3FB4];
	_ =	sdelay $0x3  }
0x34: {  	[smem:$0x3FB4] =	sst s10  }
0x35: {  	s10 =	sld [smem:$0x3FB3];
	_ =	sdelay $0x3  }
0x36: {  	p1 =	seq.s32 s10, $0x1;
	s10 =	sld [smem:$0x3FB4];
	_ =	sdelay $0x3  }
0x37: {  	[smem:$0x3FB4] =	sst s10  }
0x38: {  	s10 =	sld [smem:$0x3FB5]  }
0x39: {  	_ = 	snop;
	(pc) =	sbr.ind lr, $3  }
0x3a: {  	_ = 	snop  }
0x3b: {  	_ = 	snop  }
0x3c: {  	p2 =	seq.s32 s10, $0x1;
	s10 =	sld [smem:$0x3FB4]  }
0x3d: {  	_ =	shalt  }
0x3e: {  	_ =	shalt  }
0x3f: {  	_ =	shalt  }
0x40: {  	_ =	shalt  }
0x41: {  	_ =	shalt  }
0x42: {  	_ =	shalt  }
0x43: {  	_ =	shalt  }
0x44: {  	_ =	shalt  }
0x45: {  	_ =	shalt  }
0x46: {  	_ =	shalt  }
0x47: {  	_ =	shalt  }
0x48: {  	_ =	shalt  }
0x49: {  	_ =	shalt  }
0x4a: {  	_ =	shalt  }
0x4b: {  	_ =	shalt  }
0x4c: {  	_ =	shalt  }
0x4d: {  	_ =	shalt  }
0x4e: {  	_ =	shalt  }
0x4f: {  	_ =	shalt  }
0x50: {  	_ =	shalt  }
0x51: {  	_ =	shalt  }
0x52: {  	_ =	shalt  }
0x53: {  	_ =	shalt  }
0x54: {  	_ =	shalt  }
0x55: {  	_ =	shalt  }
0x56: {  	_ =	shalt  }
0x57: {  	_ =	shalt  }
0x58: {  	_ =	shalt  }
0x59: {  	_ =	shalt  }
0x5a: {  	_ =	shalt  }
0x5b: {  	_ =	shalt  }
0x5c: {  	_ =	shalt  }
0x5d: {  	_ =	shalt  }
0x5e: {  	_ =	shalt  }
0x5f: {  	_ =	shalt  }
0x60: {  	_ =	shalt  }
0x61: {  	_ =	shalt  }
0x62: {  	_ =	shalt  }
0x63: {  	_ =	shalt  }
0x64: {  	_ =	shalt  }
0x65: {  	_ =	shalt  }
0x66: {  	_ =	shalt  }
0x67: {  	_ =	shalt  }
0x68: {  	_ =	shalt  }
0x69: {  	_ =	shalt  }
0x6a: {  	_ =	shalt  }
0x6b: {  	_ =	shalt  }
0x6c: {  	_ =	shalt  }
0x6d: {  	_ =	shalt  }
0x6e: {  	_ =	shalt  }
0x6f: {  	_ =	shalt  }
0x70: {  	_ =	shalt  }
0x71: {  	_ =	shalt  }
0x72: {  	_ =	shalt  }
0x73: {  	_ =	shalt  }
0x74: {  	_ =	shalt  }
0x75: {  	_ =	shalt  }
0x76: {  	_ =	shalt  }
0x77: {  	_ =	shalt  }
0x78: {  	_ =	shalt  }
0x79: {  	_ =	shalt  }
0x7a: {  	_ =	shalt  }
0x7b: {  	_ =	shalt  }
0x7c: {  	_ =	shalt  }
0x7d: {  	_ =	shalt  }
0x7e: {  	_ =	shalt  }
0x7f: {  	_ =	shalt  }
0x80: {  	_ =	shalt  }
0x81: {  	_ =	shalt  }
0x82: {  	_ =	shalt  }
0x83: {  	_ =	shalt  }
0x84: {  	_ =	shalt  }
0x85: {  	_ =	shalt  }
0x86: {  	_ =	shalt  }
0x87: {  	_ =	shalt  }
.Lfunc_end0:
.L_simem_size_0:
called_computation.1_lowered:
.L_overlay_start_0:
0x88: {  	s2 =	sld [smem:$0x3FD9]  }
0x89: {  	s3 =	sld [smem:$0x3FFE];
	_ =	sdelay $0x1  }
0x8a: {  	s1 =	srdreg.scid  }
0x8b: {  	s0 =	sand.u32 $0x1, s1  }
0x8c: {  	s17 =	sshll.u32 s0, $0xA;
	s2 =	sadd.s32 s3, s2  }
0x8d: {  	s2 =	sadd.s32 s2, s17  }
0x8e: {  	[smem:$0x3FC0] =	sst s2  }
0x8f: {  	_ = 	snop  }
0x90: {  	s2 =	sld [smem:$0x3FD0];
	(tm) =	ssettm $0x1  }
0x91: {  	s18 =	sld [smem:$0x3FFB];
	_ =	sdelay $0x3  }
0x92: {  	_ =	strace s18  }
0x93: {  	s3 =	sld [smem:$0x3FFC];
	_ =	sdelay $0x3  }
0x94: {  	_ =	strace s3  }
0x95: {  	s3 =	sld [smem:$0x3FFD];
	_ =	sdelay $0x3  }
0x96: {  	_ =	strace s3  }
0x97: {  	_ =	strace $0x8FFFFFFF  }
0x98: {  	s19 =	sld [smem:$0x3FDB];
	_ =	sdelay $0x1  }
0x99: {  	s4 =	simm.s32 $_scs_section_size  }
0x9a: {  	s5 =	simm.s32 $_size__tile_overlayer_lowered;
	s6 =	simm.s32 $_tile_overlayer_lowered  }
0x9b: {  	s22 =	simm.s32 $0x1BFF;
	s21 =	sshll.u32 s6, $0x1;
	s3 =	sadd.s32 s4, s19  }
0x9c: {  	s7 =	simm.s32 $0x0;
	s20 =	sshll.u32 s5, $0x1;
	s5 =	sadd.s32 s21, s3  }
0x9d: {  	[timem:s7], [sflag:s22] =	dma.local [hbm:s5], s20  }
0x9e: {  	_ =	swait.ge [sflag:s22], s20  }
0x9f: {  	s4 =	ssub.s32 $0x0, s20;
	[sflag:s22] =	ssyncset.done $0x0  }
0xa0: {  	[sflag:s22] =	ssyncadd.s32 s4;
	_ =	sdelay $0x1  }
0xa1: {  	s23 =	simm.s32 $0x1B8B  }
0xa2: {  	_ =	swait.ge [sflag:s23], $0x1  }
0xa3: {  	[sflag:s23] =	ssyncset.done $0x0  }
0xa4: {  	s25 =	simm.s32 $0x1B8E;
	s24 =	sld [smem:$0x3FFE];
	[sflag:s23] =	ssyncadd.s32 $0xFFFFFFFF  }
0xa5: {  	s26 =	simm.s32 $execute0_lowered;
	[smem:$0x3FD2] =	sst s25  }
0xa6: {  	s5 =	sshll.u32 s26, $0x1;
	_ =	strace $0x80000049;
	[dreg:$0x1] =	wrdreg $0xFFFFFFFF  }
0xa7: {  	s28 =	simm.s32 $_size_execute0_lowered;
	s3 =	sadd.s32 s3, s5;
	[dreg:$0x0] =	wrdreg $0x0  }
0xa8: {  	s5 =	sshll.u32 s28, $0x1;
	[dreg:$0x2] =	wrdreg s3  }
0xa9: {  	[dreg:$0x3] =	wrdreg s5  }
0xaa: {  	[dreg:$0x4] =	wrdreg $0xC0  }
0xab: {  	_ =	task [dreg:s7], $0x5FFFF  }
0xac: {  	[dreg:$0x1] =	wrdreg $0xFFFFFFFF  }
0xad: {  	[dreg:$0x0] =	wrdreg $0x60  }
0xae: {  	[dreg:$0x2] =	wrdreg s2  }
0xaf: {  	[dreg:$0x3] =	wrdreg s24  }
0xb0: {  	[dreg:$0x4] =	wrdreg $0x90000  }
0xb1: {  	[dreg:$0x5] =	wrdreg $0x9  }
0xb2: {  	_ =	task.clear_ibuf [dreg:s7], $0x6FFFF;
	_ =	strace $0x90000049  }
0xb3: {  	s29 =	simm.s32 $0x9;
	_ =	strace $0x8000004B  }
0xb4: {  	_ =	swait.ge [sflag:s29], $0x1  }
0xb5: {  	[sflag:s29] =	ssyncadd.s32 $0xFFFFFFFF  }
0xb6: {  	_ =	strace $0x9000004B  }
0xb7: {  	_ =	sfence  }
0xb8: {  	s30 =	sld [smem:$0x0];
	_ =	sdelay $0x2  }
0xb9: {  	s31 =	sshll.u32 s1, $0xD;
	s1 =	sshrl.u32 s1, $0x2  }
0xba: {  	s3 =	sand.u32 $0x4000, s31;
	s1 =	sadd.s32 s1, s30  }
0xbb: {  	s0 =	sor.u32 s3, s0;
	s1 =	sshll.u32 s1, $0x11  }
0xbc: {  	s0 =	sor.u32 s1, s0  }
0xbd: {  	s0 =	sadd.s32 $0x8F2B, s0  }
0xbe: {  	[sflag:s0] =	ssyncadd.remote.s32 $0x1  }
0xbf: {  	_ =	sfence.sel $0xFFFF  }
0xc0: {  	[dreg:$0x0] =	wrdreg $0xFFFFFFFF;
	(pc) =	sbr.abs _section_cstart, $3  }
0xc1: {  	[dreg:$0x1] =	wrdreg $0xFFFFFFFF  }
0xc2: {  	_ =	task.clear_ibuf [dreg:s7], $0x2FFFF;
	_ =	strace $0x9FFFFFFF  }
0xc3: {  	(tm) =	ssettm $0x7FFFFFFF  }
tec
execute0_lowered:
.L_overlay_start_1:
0x0: {  	(tag) =	ssettag $0x1  }
0x1: {  	s1 =	rddreg [dreg:$0x0]  }
0x2: {  	s5 =	rddreg [dreg:$0x1]  }
0x3: {  	s2 =	rddreg [dreg:$0x2]  }
0x4: {  	s3 =	srdreg.scid;
	s0 =	rddreg [dreg:$0x3];
	s4 =	simm.s32 $0x0  }
0x5: {  	s14 =	simm.s32 $0x2;
	s15 =	simm.s32 $0x2800;
	s16 =	simm.s32 $0x5000  }
0x6: {  	s17 =	simm.s32 $0x80;
	s18 =	simm.s32 $0x1;
	s6 =	sand.u32 $0x1, s3  }
0x7: {  	s21 =	simm.s32 $0x0;
	s3 =	stileid.u32;
	s8 =	smul.u32 $0x140000, s6  }
0x8: {  	[smem:$0x7FF] =	sst s4;
	s7 =	sshll.u32 s6, $0x4;
	s9 =	smul.u32 $0x14000, s3  }
0x9: {  	_ =	strace $0x8000004A;
	s6 =	ssub.s32 $0x2, s6;
	s30 =	smul.u32 $0x50000, s3  }
0xa: {  	s19 =	sshll.u32 s3, $0x6;
	s7 =	sor.u32 s3, s7;
	s10 =	sshrl.u32 s6, $0x1  }
0xb: {  	s19 =	sor.u32 $0x1C02, s19;
	s7 =	smul.u32 $0x500, s7;
	s8 =	sadd.s32 s9, s8  }
0xc: {  	s13 =	ssub.s32 s6, s10;
	s31 =	sshrl.u32 s30, $0x2;
	s8 =	sshrl.u32 s8, $0x3  }
0xd: {  	s13 =	smax.u32 s13, $0x1;
	s7 =	sadd.s32 s7, s5;
	s12 =	sadd.s32 s8, s5  }
0xe: {  	s5 =	sadd.s32 $0x15800, s7;
	s6 =	sadd.s32 $0xB800, s7;
	s7 =	sadd.s32 s31, s2  }
0xf: {  	s12 =	sadd.s32 $0x1F800, s12;
	s8 =	sadd.s32 $0x4000, s7;
	s9 =	sadd.s32 $0x8000, s7  }
0x10: {  	v0 =	vimm.f32 $0.0e+00;
	s10 =	sadd.s32 $0xC000, s7;
	s11 =	sadd.s32 $0x10000, s7;
	s20 =	sshrl.u32 s7, $0x3  }
.LBB2_1:
0x11: {  	[tilespmem:s4], [sflag:$0x2] =	stream.linear.gather [hbm4b:s5+s4], $0x2780, $0x38;
	[tilespmem:$0x1D000] =	vst v63  }
0x12: {  	_ =	swait.ge [sflag:s14], $0x2780  }
0x13: {  	[sflag:s14] =	ssyncset.done $0x0  }
0x14: {  	[sflag:s14] =	ssyncadd.s32 $0xFFFFD880  }
0x15: {  	[tilespmem:s15], [sflag:$0x2] =	stream.linear.gather [hbm4b:s6+s4], $0x2780, $0x38;
	[tilespmem:$0x1D000] =	vst v63  }
0x16: {  	_ =	swait.ge [sflag:s14], $0x2780  }
0x17: {  	[sflag:s14] =	ssyncset.done $0x0  }
0x18: {  	s22 =	simm.s32 $0x0;
	s23 =	simm.s32 $0x200;
	[sflag:s14] =	ssyncadd.s32 $0xFFFFD880  }
.LBB2_2:
0x19: {  	p0 =	sne.s32 s23, $0xFE00;
	[tilespmem:s22+$0x5070] =	vst v0  }
0x1a: {  	[tilespmem:s22+$0x5000] =	vst v0  }
0x1b: {  	[tilespmem:s22+$0x5010] =	vst v0  }
.Ltmp0:
0x1c: {  	[tilespmem:s22+$0x5020] =	vst v0;
	(pc) =	sbr.rel @p0 .LBB2_2-.Ltmp0, $4  }
0x1d: {  	[tilespmem:s22+$0x5030] =	vst v0  }
0x1e: {  	[tilespmem:s22+$0x5040] =	vst v0  }
0x1f: {  	[tilespmem:s22+$0x5050] =	vst v0  }
0x20: {  	[tilespmem:s22+$0x5060] =	vst v0;
	s22 =	sshra.s32 s23, $0x2;
	s23 =	sadd.s32 $0x200, s23  }
0x21: {  	[tilespmem:s22+$0x5070] =	vst v0  }
0x22: {  	[tilespmem:s22+$0x5000] =	vst v0  }
0x23: {  	[tilespmem:s22+$0x5010] =	vst v0  }
0x24: {  	[tilespmem:s22+$0x5020] =	vst v0  }
0x25: {  	[tilespmem:s22+$0x5030] =	vst v0  }
0x26: {  	[tilespmem:s22+$0x5040] =	vst v0  }
0x27: {  	[tilespmem:s22+$0x5050] =	vst v0  }
0x28: {  	[tilespmem:s22+$0x5060] =	vst v0  }
0x29: {  	[spmem:s7] =	stream.linear.scatter [tilespmem:s16], [sflag:$0x2], $0x4000, $0x38;
	[tilespmem:$0x1D000] =	vst v63  }
0x2a: {  	_ =	swait.ge [sflag:s14], $0x4000  }
0x2b: {  	[sflag:s14] =	ssyncset.done $0x0  }
0x2c: {  	[sflag:s14] =	ssyncadd.s32 $0xFFFFC000  }
0x2d: {  	[spmem:s8] =	stream.linear.scatter [tilespmem:s16], [sflag:$0x2], $0x4000, $0x38;
	[tilespmem:$0x1D000] =	vst v63  }
0x2e: {  	_ =	swait.ge [sflag:s14], $0x4000  }
0x2f: {  	[sflag:s14] =	ssyncset.done $0x0  }
0x30: {  	[sflag:s14] =	ssyncadd.s32 $0xFFFFC000  }
0x31: {  	[spmem:s9] =	stream.linear.scatter [tilespmem:s16], [sflag:$0x2], $0x4000, $0x38;
	[tilespmem:$0x1D000] =	vst v63  }
0x32: {  	_ =	swait.ge [sflag:s14], $0x4000  }
0x33: {  	[sflag:s14] =	ssyncset.done $0x0  }
0x34: {  	[sflag:s14] =	ssyncadd.s32 $0xFFFFC000  }
0x35: {  	[spmem:s10] =	stream.linear.scatter [tilespmem:s16], [sflag:$0x2], $0x4000, $0x38;
	[tilespmem:$0x1D000] =	vst v63  }
0x36: {  	_ =	swait.ge [sflag:s14], $0x4000  }
0x37: {  	[sflag:s14] =	ssyncset.done $0x0  }
0x38: {  	[sflag:s14] =	ssyncadd.s32 $0xFFFFC000  }
0x39: {  	[spmem:s11] =	stream.linear.scatter [tilespmem:s16], [sflag:$0x2], $0x4000, $0x38;
	[tilespmem:$0x1D000] =	vst v63  }
0x3a: {  	_ =	swait.ge [sflag:s14], $0x4000  }
0x3b: {  	[sflag:s14] =	ssyncset.done $0x0  }
0x3c: {  	[sflag:s14] =	ssyncadd.s32 $0xFFFFC000  }
0x3d: {  	s30 =	simm.s32 $0x0;
	[bflag:$0x0] =	sbarrier.arrive $0xFFFF  }
0x3e: {  	[tilespmem:s16], [sflag:$0x1] =	stream.indirect.gather [hbm4b:s1+s17], $0x80, s30, s17, $0xb8;
	[tilespmem:$0x1D000] =	vst v63  }
0x3f: {  	_ =	swait.ge [sflag:s18], $0x4000  }
0x40: {  	[sflag:s18] =	ssyncset.done $0x0  }
0x41: {  	s31 =	simm.s32 $0x2800;
	[sflag:s18] =	ssyncadd.s32 $0xFFFFC000  }
0x42: {  	[spmem:s2] =	stream.indirect.scatter.add.f32 [tilespmem:s16], [sflag:$0x2], $0x80, s31, s17, $0xb8;
	[tilespmem:$0x1D000] =	vst v63  }
0x43: {  	_ =	swait.ge [sflag:s14], $0x4000  }
0x44: {  	s22 =	simm.s32 $0x200;
	s23 =	simm.s32 $0x400;
	[sflag:s14] =	ssyncset.done $0x0  }
.LBB2_4:
0x45: {  	s24 =	sshra.s32 s22, $0x2  }
0x46: {  	[sflag:s14] =	ssyncadd.s32 $0xFFFFC000;
	s22 =	smov.u32 s23;
	s25 =	sadd.s32 $0x200, s23  }
0x47: {  	[tilespmem:s16], [sflag:$0x1] =	stream.indirect.gather [hbm4b:s1+s17], $0x80, s24, s17, $0xb8;
	[tilespmem:$0x1D000] =	vst v63  }
0x48: {  	p0 =	sne.s32 s23, $0x9C00;
	_ =	swait.ge [sflag:s18], $0x4000  }
.Ltmp1:
0x49: {  	[sflag:s18] =	ssyncset.done $0x0;
	(pc) =	sbr.rel @p0 .LBB2_4-.Ltmp1, $4  }
0x4a: {  	s23 =	sadd.s32 $0x2800, s24;
	[sflag:s18] =	ssyncadd.s32 $0xFFFFC000  }
0x4b: {  	[spmem:s2] =	stream.indirect.scatter.add.f32 [tilespmem:s16], [sflag:$0x2], $0x80, s23, s17, $0xb8;
	[tilespmem:$0x1D000] =	vst v63  }
0x4c: {  	_ =	swait.ge [sflag:s14], $0x4000  }
0x4d: {  	s23 =	smov.u32 s25;
	[sflag:s14] =	ssyncset.done $0x0  }
0x4e: {  	s22 =	sshra.s32 s22, $0x2;
	[sflag:s14] =	ssyncadd.s32 $0xFFFFC000  }
0x4f: {  	[tilespmem:s16], [sflag:$0x1] =	stream.indirect.gather [hbm4b:s1+s17], $0x80, s22, s17, $0xb8;
	[tilespmem:$0x1D000] =	vst v63  }
0x50: {  	_ =	swait.ge [sflag:s18], $0x4000  }
0x51: {  	[sflag:s18] =	ssyncset.done $0x0  }
0x52: {  	s22 =	sadd.s32 $0x2800, s22;
	[sflag:s18] =	ssyncadd.s32 $0xFFFFC000  }
0x53: {  	[spmem:s2] =	stream.indirect.scatter.add.f32 [tilespmem:s16], [sflag:$0x2], $0x80, s22, s17, $0xb8;
	[tilespmem:$0x1D000] =	vst v63  }
0x54: {  	_ =	swait.ge [sflag:s14], $0x4000  }
0x55: {  	s21 =	sadd.s32 $0x1, s21;
	[sflag:s14] =	ssyncset.done $0x0  }
0x56: {  	p0 =	sne.s32 s21, s13;
	[sflag:s14] =	ssyncadd.s32 $0xFFFFC000  }
.Ltmp2:
0x57: {  	[bflag:$0x0] =	sbarrier.arrive $0xFFFF;
	(pc) =	sbr.rel @p0 .LBB2_1-.Ltmp2, $4  }
0x58: {  	[hbm:s12], [sflag:s19] =	dma.local [spmem:s20], $0x2800  }
0x59: {  	_ =	swait.ge [sflag:s14], $0x2800  }
0x5a: {  	[sflag:s14] =	ssyncset.done $0x0  }
0x5b: {  	[sflag:s14] =	ssyncadd.s32 $0xFFFFD800  }
0x5c: {  	_ =	sfence.sel $0x180000  }
0x5d: {  	[bflag:$0x0] =	sbarrier.arrive $0xFFFF  }
0x5e: {  	p0 =	sne.s32 s3, $0x0;
	_ =	strace $0x9000004A  }
0x5f: {  	s0 =	sadd.s32 @!p0 $0x100000, s0;
	[bflag:$0x2] =	sbarrier.arrive $0xFFFF  }
0x60: {  	[sflag:s0] =	ssyncadd.tile.s32 @!p0 $0x1;
	_ =	shalt  }
.Lfunc_end2:
_tile_overlayer_lowered:
.L_overlay_start_2:
0x61: {  	(tag) =	ssettag $0x2  }
0x62: {  	s0 =	rddreg [dreg:$0x0];
	s2 =	stileid.u32  }
0x63: {  	s1 =	rddreg [dreg:$0x1];
	p0 =	sne.s32 s2, $0x0  }
0x64: {  	s3 =	rddreg [dreg:$0x2];
	[bflag:$0x3] =	sbarrier.arrive $0xFFFF;
	s2 =	simm.s32 @!p0 $0x1C02  }
0x65: {  	[timem:s3], [sflag:s2] =	dma.local @!p0 [hbm:s0], s1  }
0x66: {  	s0 =	simm.s32 @!p0 $0x2  }
0x67: {  	_ =	swait.ge @!p0 [sflag:s0], s1  }
0x68: {  	s1 =	ssub.s32 @!p0 $0x0, s1;
	[sflag:s0] =	ssyncset.done @!p0 $0x0  }
0x69: {  	[sflag:s0] =	ssyncadd.s32 @!p0 s1  }
0x6a: {  	[bflag:$0x3] =	sbarrier.arrive $0xFFFF  }
0x6b: {  	_ =	shalt  }

</sc_bundles>
